<compile_context>
chip_gen: v7x
topology: tpu7x:2x2x1
jax: 0.10.2.dev20260603
libtpu: 0.0.44.dev20260713+nightly
codegen_flags: <defaults>
</compile_context>

<pallas_src>
import functools

import jax
import jax.numpy as jnp
from jax import lax
from jax.experimental import pallas as pl
from jax.experimental.pallas import tpu as pltpu
from jax.experimental.pallas import tpu_sc as plsc

N = 10000
E = 320000
D = 128

NC = 2
NS = 16
NW = NC * NS

N_PAD = 10240
ROWS_PER_TILE = N_PAD // NS
ZCHUNK = 128

WPT = 80
EROWS_P = NW * WPT
E_PAD = EROWS_P * D

_mesh = plsc.VectorSubcoreMesh(core_axis_name="c", subcore_axis_name="s")


@functools.partial(
    pl.kernel,
    mesh=_mesh,
    out_type=jax.ShapeDtypeStruct((NC, N_PAD, D), jnp.float32),
    scratch_types=[
        pltpu.VMEM((WPT, D), jnp.int32),
        pltpu.VMEM((D, D), jnp.float32),
        pltpu.VMEM((ZCHUNK, D), jnp.float32),
        pltpu.VMEM_SHARED((N_PAD, D), jnp.float32),
    ],
)
def _sc_degree(dst_hbm, deg_hbm, didx_c, ones_v, z_v, acc_sh):
    cid = lax.axis_index("c")
    sid = lax.axis_index("s")
    wid = cid * NS + sid

    @pl.loop(0, ZCHUNK)
    def _(r):
        @pl.loop(0, D, step=16)
        def _(cc):
            z_v[r, pl.ds(cc, 16)] = jnp.zeros((16,), jnp.float32)

    @pl.loop(0, D)
    def _(r):
        @pl.loop(0, D, step=16)
        def _(cc):
            ones_v[r, pl.ds(cc, 16)] = jnp.ones((16,), jnp.float32)

    pltpu.sync_copy(dst_hbm.at[pl.ds(wid * WPT, WPT)], didx_c)
    for j in range(ROWS_PER_TILE // ZCHUNK):
        pltpu.sync_copy(
            z_v, acc_sh.at[pl.ds(sid * ROWS_PER_TILE + j * ZCHUNK, ZCHUNK)]
        )
    plsc.subcore_barrier()

    @pl.loop(0, WPT)
    def _(w):
        pltpu.sync_copy(ones_v, acc_sh.at[didx_c.at[w]], add=True)

    plsc.subcore_barrier()
    for j in range(ROWS_PER_TILE // ZCHUNK):
        pltpu.sync_copy(
            acc_sh.at[pl.ds(sid * ROWS_PER_TILE + j * ZCHUNK, ZCHUNK)], z_v
        )
        pltpu.sync_copy(
            z_v, deg_hbm.at[cid, pl.ds(sid * ROWS_PER_TILE + j * ZCHUNK, ZCHUNK)]
        )


@functools.partial(
    pl.kernel,
    mesh=_mesh,
    out_type=jax.ShapeDtypeStruct((NC, N_PAD, D), jnp.float32),
    scratch_types=[
        pltpu.VMEM((WPT // 2, D), jnp.int32),
        pltpu.VMEM((WPT // 2, D), jnp.int32),
        pltpu.VMEM((D, D), jnp.float32),
        pltpu.VMEM((D, D), jnp.float32),
        pltpu.VMEM_SHARED((N_PAD, D), jnp.float32),
        pltpu.SemaphoreType.DMA,
        pltpu.SemaphoreType.DMA,
    ],
)
def _sc_scatter(g_hbm, src_hbm, dst_hbm, out_hbm, sidx_c, didx_c, rows0, rows1,
                acc_sh, sem0, sem1):
    cid = lax.axis_index("c")
    sid = lax.axis_index("s")
    wid = cid * NS + sid

    @pl.loop(0, ZCHUNK)
    def _(r):
        @pl.loop(0, D, step=16)
        def _(cc):
            rows0[r, pl.ds(cc, 16)] = jnp.zeros((16,), jnp.float32)

    for j in range(ROWS_PER_TILE // ZCHUNK):
        pltpu.sync_copy(
            rows0, acc_sh.at[pl.ds(sid * ROWS_PER_TILE + j * ZCHUNK, ZCHUNK)]
        )
    plsc.subcore_barrier()

    HW = WPT // 2
    for half in range(2):
        cbase = wid * WPT + half * HW
        pltpu.sync_copy(src_hbm.at[pl.ds(cbase, HW)], sidx_c)
        pltpu.sync_copy(dst_hbm.at[pl.ds(cbase, HW)], didx_c)

        pltpu.async_copy(g_hbm.at[sidx_c.at[0]], rows0, sem0)
        pltpu.async_copy(g_hbm.at[sidx_c.at[1]], rows1, sem1)

        @pl.loop(0, HW, step=2)
        def _(w):
            pltpu.make_async_copy(g_hbm.at[pl.ds(0, D)], rows0, sem0).wait()
            pltpu.sync_copy(rows0, acc_sh.at[didx_c.at[w]], add=True)

            @pl.when(w + 2 < HW)
            def _():
                pltpu.async_copy(g_hbm.at[sidx_c.at[w + 2]], rows0, sem0)

            pltpu.make_async_copy(g_hbm.at[pl.ds(0, D)], rows1, sem1).wait()
            pltpu.sync_copy(rows1, acc_sh.at[didx_c.at[w + 1]], add=True)

            @pl.when(w + 3 < HW)
            def _():
                pltpu.async_copy(g_hbm.at[sidx_c.at[w + 3]], rows1, sem1)

    plsc.subcore_barrier()
    for j in range(ROWS_PER_TILE // ZCHUNK):
        pltpu.sync_copy(
            acc_sh.at[pl.ds(sid * ROWS_PER_TILE + j * ZCHUNK, ZCHUNK)], rows0
        )
        pltpu.sync_copy(
            rows0, out_hbm.at[cid, pl.ds(sid * ROWS_PER_TILE + j * ZCHUNK, ZCHUNK)]
        )


_RB = 1000
_NB = N // _RB


def _tc_matmul_body(x_ref, w_ref, h_ref):
    h_ref[...] = lax.dot_general(
        x_ref[...], w_ref[...], (((1,), (1,)), ((), ())),
        preferred_element_type=jnp.float32,
    )


def _tc_scale_body(h_ref, deg_ref, g_ref):
    deg = deg_ref[0, :, 0:1] + deg_ref[1, :, 0:1] + 1.0
    g_ref[...] = h_ref[...] * lax.rsqrt(deg)


def _tc_bn_body(sp_ref, g_ref, deg_ref, b_ref, gamma_ref, beta_ref, x_ref,
                y_ref, t_vmem, ps_acc, pss_acc):
    p = pl.program_id(0)
    i = pl.program_id(1)

    @pl.when(jnp.logical_and(p == 0, i == 0))
    def _():
        ps_acc[...] = jnp.zeros_like(ps_acc)
        pss_acc[...] = jnp.zeros_like(pss_acc)

    @pl.when(p == 0)
    def _():
        deg = deg_ref[0, :, 0:1] + deg_ref[1, :, 0:1] + 1.0
        dinv = lax.rsqrt(deg)
        t = (sp_ref[0] + sp_ref[1] + g_ref[...]) * dinv + b_ref[...]
        t_vmem[pl.ds(i * _RB, _RB), :] = t
        ps_acc[...] += jnp.sum(t, axis=0, keepdims=True)
        pss_acc[...] += jnp.sum(t * t, axis=0, keepdims=True)

    @pl.when(p == 1)
    def _():
        inv_n = 1.0 / N
        mean = ps_acc[...] * inv_n
        var = pss_acc[...] * inv_n - mean * mean
        scale = gamma_ref[...] * lax.rsqrt(var + 1e-5)
        t = t_vmem[pl.ds(i * _RB, _RB), :]
        bn = (t - mean) * scale + beta_ref[...]
        y_ref[...] = jnp.maximum(bn, 0.0) + x_ref[...]


@jax.jit
def kernel(x, edge_index, W, b, gamma, beta):
    pad_n = E_PAD - E
    pad_src = jnp.arange(pad_n, dtype=jnp.int32) % N
    pad_dst = N + (jnp.arange(pad_n, dtype=jnp.int32) % (N_PAD - N))
    src2 = jnp.concatenate([edge_index[0], pad_src]).reshape(EROWS_P, D)
    dst2 = jnp.concatenate([edge_index[1], pad_dst]).reshape(EROWS_P, D)
    b2 = b.reshape(1, D)
    gamma2 = gamma.reshape(1, D)
    beta2 = beta.reshape(1, D)

    deg_p = _sc_degree(dst2)

    h = pl.pallas_call(
        _tc_matmul_body,
        grid=(_NB,),
        in_specs=[
            pl.BlockSpec((_RB, D), lambda i: (i, 0)),
            pl.BlockSpec((D, D), lambda i: (0, 0)),
        ],
        out_specs=pl.BlockSpec((_RB, D), lambda i: (i, 0)),
        out_shape=jax.ShapeDtypeStruct((N, D), jnp.float32),
    )(x, W)

    g = pl.pallas_call(
        _tc_scale_body,
        grid=(_NB,),
        in_specs=[
            pl.BlockSpec((_RB, D), lambda i: (i, 0)),
            pl.BlockSpec((NC, _RB, D), lambda i: (0, i, 0)),
        ],
        out_specs=pl.BlockSpec((_RB, D), lambda i: (i, 0)),
        out_shape=jax.ShapeDtypeStruct((N, D), jnp.float32),
    )(h, deg_p)

    s_p = _sc_scatter(g, src2, dst2)

    y = pl.pallas_call(
        _tc_bn_body,
        grid=(2, _NB),
        in_specs=[
            pl.BlockSpec((NC, _RB, D), lambda p, i: (0, i, 0)),
            pl.BlockSpec((_RB, D), lambda p, i: (i, 0)),
            pl.BlockSpec((NC, _RB, D), lambda p, i: (0, i, 0)),
            pl.BlockSpec((1, D), lambda p, i: (0, 0)),
            pl.BlockSpec((1, D), lambda p, i: (0, 0)),
            pl.BlockSpec((1, D), lambda p, i: (0, 0)),
            pl.BlockSpec((_RB, D), lambda p, i: (i, 0)),
        ],
        out_specs=pl.BlockSpec((_RB, D), lambda p, i: (i, 0)),
        out_shape=jax.ShapeDtypeStruct((N, D), jnp.float32),
        scratch_shapes=[
            pltpu.VMEM((N, D), jnp.float32),
            pltpu.VMEM((1, D), jnp.float32),
            pltpu.VMEM((1, D), jnp.float32),
        ],
    )(s_p, g, deg_p, b2, gamma2, beta2, x)

    return y

# --- scband reference (transcript-rebuilt; emitter-appended) ---
"""Pipeline reference for scband-mrcgnn-77403900608998 (READ-ONLY COPY).

The authoritative reference and input builder live on the scoring server;
editing this copy changes nothing except your own understanding.
"""

import jax, jax.numpy as jnp
import numpy as np

N = 10000
E = 320000
D = 128


def setup_inputs(seed: int = 0) -> dict:
    key = jax.random.key(seed)
    k1, k2, k3 = jax.random.split(key, 3)
    x = jax.random.normal(k1, (N, D), dtype=jnp.float32)
    edge_index = jax.random.randint(k2, (2, E), 0, N, dtype=jnp.int32)
    # GCNConv linear weight (glorot-like) and bias
    W = jax.random.normal(k3, (D, D), dtype=jnp.float32) * (1.0 / np.sqrt(D))
    b = jnp.zeros((D,), dtype=jnp.float32)
    # BatchNorm1d affine params
    gamma = jnp.ones((D,), dtype=jnp.float32)
    beta = jnp.zeros((D,), dtype=jnp.float32)
    return {"x": x, "edge_index": edge_index, "W": W, "b": b, "gamma": gamma, "beta": beta}


def reference(x, edge_index, W, b, gamma, beta):
    # GCNLayer.forward: GCNConv -> BatchNorm1d -> ReLU -> residual add -> Dropout(eval=identity)
    n = x.shape[0]
    src = edge_index[0]
    dst = edge_index[1]
    # GCNConv default: add self-loops + symmetric normalization
    loop = jnp.arange(n, dtype=src.dtype)
    src = jnp.concatenate([src, loop])
    dst = jnp.concatenate([dst, loop])
    h = x @ W.T
    deg = jnp.zeros((n,), dtype=x.dtype).at[dst].add(1.0)
    dinv = jnp.where(deg > 0, jax.lax.rsqrt(jnp.maximum(deg, 1e-12)), 0.0)
    norm = dinv[src] * dinv[dst]
    msg = h[src] * norm[:, None]
    out = jnp.zeros_like(h).at[dst].add(msg) + b
    # BatchNorm1d (training-mode batch statistics)
    mean = out.mean(axis=0)
    var = out.var(axis=0)
    bn = (out - mean) / jnp.sqrt(var + 1e-5) * gamma + beta
    act = jax.nn.relu(bn)
    # in_features == out_features -> identity residual
    y = act + x
    return y

if __name__ == "__main__":
    import jax
    _d = setup_inputs()
    print(jax.jit(kernel)(*tuple(_d.values())))

</pallas_src>

<mosaic_0001>
#map = affine_map<(d0, d1) -> (0, 0)>
#map1 = affine_map<(d0, d1) -> (0, 0, 0)>
module attributes {stable_mosaic.version = 14 : i64} {
  func.func @_sc_degree(%arg0: i32, %arg1: i32, %arg2: memref<2560x128xi32, #tpu.memory_space<hbm>>, %arg3: memref<2x10240x128xf32, #tpu.memory_space<hbm>>, %arg4: memref<80x128xi32, #tpu.memory_space<vmem>>, %arg5: memref<128x128xf32, #tpu.memory_space<vmem>>, %arg6: memref<128x128xf32, #tpu.memory_space<vmem>>, %arg7: memref<10240x128xf32, #tpu.memory_space<vmem_shared>>) attributes {dimension_semantics = [#tpu.dimension_semantics<core_parallel>, #tpu.dimension_semantics<subcore_parallel>], iteration_bounds = array<i64: 2, 16>, scalar_prefetch = 0 : i64, scratch_operands = 4 : i64, tpu.core_type = #tpu.core_type<sc_vector_subcore>, window_params = [{transform_indices = #map}, {transform_indices = #map1}]} {
    %mul3A = arith.constant 16 : i32
    %mul3A_0 = arith.muli %arg0, %mul3A : i32
    %add3A = arith.addi %mul3A_0, %arg1 : i32
    %scan3A = arith.constant 0 : i32
    %scan3A_1 = arith.constant 128 : i32
    %scan3A_2 = arith.addi %scan3A, %scan3A_1 : i32
    %scan3A_3 = arith.constant 1 : i32
    scf.for %scan3A_78 = %scan3A to %scan3A_2 step %scan3A_3  : i32 {
      %mul3A_79 = arith.constant 1 : i32
      %mul3A_80 = arith.muli %scan3A_78, %mul3A_79 : i32
      %add3A_81 = arith.constant 0 : i32
      %add3A_82 = arith.addi %add3A_81, %mul3A_80 : i32
      %scan3A_83 = arith.constant 0 : i32
      %scan3A_84 = arith.constant 8 : i32
      %scan3A_85 = arith.addi %scan3A_83, %scan3A_84 : i32
      %scan3A_86 = arith.constant 1 : i32
      scf.for %scan3A_88 = %scan3A_83 to %scan3A_85 step %scan3A_86  : i32 {
        %mul3A_89 = arith.constant 16 : i32
        %mul3A_90 = arith.muli %scan3A_88, %mul3A_89 : i32
        %add3A_91 = arith.constant 0 : i32
        %add3A_92 = arith.addi %add3A_91, %mul3A_90 : i32
        %broadcast_in_dim3A = arith.constant 0.000000e+00 : f32
        %broadcast_in_dim3A_93 = vector.broadcast %broadcast_in_dim3A : f32 to vector<16xf32>
        %swap3A = arith.index_cast %add3A_82 : i32 to index
        %swap3A_94 = arith.index_cast %add3A_92 : i32 to index
        %swap3A_95 = tpu.vector_load %arg6[%swap3A, %swap3A_94] {strides = array<i32>} : memref<128x128xf32, #tpu.memory_space<vmem>>, vector<1x16xf32>,
        %swap3A_96 = vector.shape_cast %swap3A_95 : vector<1x16xf32> to vector<16xf32>
        %swap3A_97 = vector.shape_cast %broadcast_in_dim3A_93 : vector<16xf32> to vector<1x16xf32>
        tpu.vector_store %arg6[%swap3A, %swap3A_94], %swap3A_97 {strides = array<i32>} : memref<128x128xf32, #tpu.memory_space<vmem>>, vector<1x16xf32>,
      }
      %scan3A_87 = arith.constant 8 : i32
    }
    %scan3A_4 = arith.constant 128 : i32
    %scan3A_5 = arith.constant 0 : i32
    %scan3A_6 = arith.constant 128 : i32
    %scan3A_7 = arith.addi %scan3A_5, %scan3A_6 : i32
    %scan3A_8 = arith.constant 1 : i32
    scf.for %scan3A_78 = %scan3A_5 to %scan3A_7 step %scan3A_8  : i32 {
      %mul3A_79 = arith.constant 1 : i32
      %mul3A_80 = arith.muli %scan3A_78, %mul3A_79 : i32
      %add3A_81 = arith.constant 0 : i32
      %add3A_82 = arith.addi %add3A_81, %mul3A_80 : i32
      %scan3A_83 = arith.constant 0 : i32
      %scan3A_84 = arith.constant 8 : i32
      %scan3A_85 = arith.addi %scan3A_83, %scan3A_84 : i32
      %scan3A_86 = arith.constant 1 : i32
      scf.for %scan3A_88 = %scan3A_83 to %scan3A_85 step %scan3A_86  : i32 {
        %mul3A_89 = arith.constant 16 : i32
        %mul3A_90 = arith.muli %scan3A_88, %mul3A_89 : i32
        %add3A_91 = arith.constant 0 : i32
        %add3A_92 = arith.addi %add3A_91, %mul3A_90 : i32
        %broadcast_in_dim3A = arith.constant 1.000000e+00 : f32
        %broadcast_in_dim3A_93 = vector.broadcast %broadcast_in_dim3A : f32 to vector<16xf32>
        %swap3A = arith.index_cast %add3A_82 : i32 to index
        %swap3A_94 = arith.index_cast %add3A_92 : i32 to index
        %swap3A_95 = tpu.vector_load %arg5[%swap3A, %swap3A_94] {strides = array<i32>} : memref<128x128xf32, #tpu.memory_space<vmem>>, vector<1x16xf32>,
        %swap3A_96 = vector.shape_cast %swap3A_95 : vector<1x16xf32> to vector<16xf32>
        %swap3A_97 = vector.shape_cast %broadcast_in_dim3A_93 : vector<16xf32> to vector<1x16xf32>
        tpu.vector_store %arg5[%swap3A, %swap3A_94], %swap3A_97 {strides = array<i32>} : memref<128x128xf32, #tpu.memory_space<vmem>>, vector<1x16xf32>,
      }
      %scan3A_87 = arith.constant 8 : i32
    }
    %scan3A_9 = arith.constant 128 : i32
    %mul3A_10 = arith.constant 80 : i32
    %mul3A_11 = arith.muli %add3A, %mul3A_10 : i32
    "tpu.region"() ({
      %run_scoped3A = tpu.sem_alloc : memref<!tpu.dma_semaphore, #tpu.memory_space<semaphore_mem>>
      %dma_start3A = arith.constant 0 : i32
      %dma_start3A_78 = tpu.memref_slice %arg2[%mul3A_11, %dma_start3A] : memref<2560x128xi32, #tpu.memory_space<hbm>> -> memref<80x128xi32, #tpu.memory_space<hbm>>
      %dma_start3A_79 = arith.constant 0 : i32
      %dma_start3A_80 = tpu.memref_slice %arg2[%mul3A_11, %dma_start3A_79] : memref<2560x128xi32, #tpu.memory_space<hbm>> -> memref<80x128xi32, #tpu.memory_space<hbm>>
      tpu.enqueue_dma source(%dma_start3A_80 : memref<80x128xi32, #tpu.memory_space<hbm>>) target(%arg4 : memref<80x128xi32, #tpu.memory_space<vmem>>) target_semaphore(%run_scoped3A : memref<!tpu.dma_semaphore, #tpu.memory_space<semaphore_mem>>)
      %dma_wait3A = arith.constant 0 : i32
      %dma_wait3A_81 = tpu.memref_slice %arg2[%mul3A_11, %dma_wait3A] : memref<2560x128xi32, #tpu.memory_space<hbm>> -> memref<80x128xi32, #tpu.memory_space<hbm>>
      %dma_wait3A_82 = arith.constant 0 : i32
      %dma_wait3A_83 = tpu.memref_slice %arg2[%mul3A_11, %dma_wait3A_82] : memref<2560x128xi32, #tpu.memory_space<hbm>> -> memref<80x128xi32, #tpu.memory_space<hbm>>
      tpu.wait_dma2 semaphore(%run_scoped3A : memref<!tpu.dma_semaphore, #tpu.memory_space<semaphore_mem>>) src(%dma_wait3A_83 : memref<80x128xi32, #tpu.memory_space<hbm>>) dst(%arg4 : memref<80x128xi32, #tpu.memory_space<vmem>>)
      tpu.yield
    }) : () -> ()
    %mul3A_12 = arith.constant 640 : i32
    %mul3A_13 = arith.muli %arg1, %mul3A_12 : i32
    %add3A_14 = arith.constant 0 : i32
    %add3A_15 = arith.addi %mul3A_13, %add3A_14 : i32
    "tpu.region"() ({
      %run_scoped3A = tpu.sem_alloc : memref<!tpu.dma_semaphore, #tpu.memory_space<semaphore_mem>>
      %dma_start3A = arith.constant 0 : i32
      %dma_start3A_78 = tpu.memref_slice %arg7[%add3A_15, %dma_start3A] : memref<10240x128xf32, #tpu.memory_space<vmem_shared>> -> memref<128x128xf32, #tpu.memory_space<vmem_shared>>
      %dma_start3A_79 = arith.constant 0 : i32
      %dma_start3A_80 = tpu.memref_slice %arg7[%add3A_15, %dma_start3A_79] : memref<10240x128xf32, #tpu.memory_space<vmem_shared>> -> memref<128x128xf32, #tpu.memory_space<vmem_shared>>
      tpu.enqueue_dma source(%arg6 : memref<128x128xf32, #tpu.memory_space<vmem>>) target(%dma_start3A_80 : memref<128x128xf32, #tpu.memory_space<vmem_shared>>) target_semaphore(%run_scoped3A : memref<!tpu.dma_semaphore, #tpu.memory_space<semaphore_mem>>)
      %dma_wait3A = arith.constant 0 : i32
      %dma_wait3A_81 = tpu.memref_slice %arg7[%add3A_15, %dma_wait3A] : memref<10240x128xf32, #tpu.memory_space<vmem_shared>> -> memref<128x128xf32, #tpu.memory_space<vmem_shared>>
      %dma_wait3A_82 = arith.constant 0 : i32
      %dma_wait3A_83 = tpu.memref_slice %arg7[%add3A_15, %dma_wait3A_82] : memref<10240x128xf32, #tpu.memory_space<vmem_shared>> -> memref<128x128xf32, #tpu.memory_space<vmem_shared>>
      tpu.wait_dma2 semaphore(%run_scoped3A : memref<!tpu.dma_semaphore, #tpu.memory_space<semaphore_mem>>) src(%arg6 : memref<128x128xf32, #tpu.memory_space<vmem>>) dst(%dma_wait3A_83 : memref<128x128xf32, #tpu.memory_space<vmem_shared>>)
      tpu.yield
    }) : () -> ()
    %mul3A_16 = arith.constant 640 : i32
    %mul3A_17 = arith.muli %arg1, %mul3A_16 : i32
    %add3A_18 = arith.constant 128 : i32
    %add3A_19 = arith.addi %mul3A_17, %add3A_18 : i32
    "tpu.region"() ({
      %run_scoped3A = tpu.sem_alloc : memref<!tpu.dma_semaphore, #tpu.memory_space<semaphore_mem>>
      %dma_start3A = arith.constant 0 : i32
      %dma_start3A_78 = tpu.memref_slice %arg7[%add3A_19, %dma_start3A] : memref<10240x128xf32, #tpu.memory_space<vmem_shared>> -> memref<128x128xf32, #tpu.memory_space<vmem_shared>>
      %dma_start3A_79 = arith.constant 0 : i32
      %dma_start3A_80 = tpu.memref_slice %arg7[%add3A_19, %dma_start3A_79] : memref<10240x128xf32, #tpu.memory_space<vmem_shared>> -> memref<128x128xf32, #tpu.memory_space<vmem_shared>>
      tpu.enqueue_dma source(%arg6 : memref<128x128xf32, #tpu.memory_space<vmem>>) target(%dma_start3A_80 : memref<128x128xf32, #tpu.memory_space<vmem_shared>>) target_semaphore(%run_scoped3A : memref<!tpu.dma_semaphore, #tpu.memory_space<semaphore_mem>>)
      %dma_wait3A = arith.constant 0 : i32
      %dma_wait3A_81 = tpu.memref_slice %arg7[%add3A_19, %dma_wait3A] : memref<10240x128xf32, #tpu.memory_space<vmem_shared>> -> memref<128x128xf32, #tpu.memory_space<vmem_shared>>
      %dma_wait3A_82 = arith.constant 0 : i32
      %dma_wait3A_83 = tpu.memref_slice %arg7[%add3A_19, %dma_wait3A_82] : memref<10240x128xf32, #tpu.memory_space<vmem_shared>> -> memref<128x128xf32, #tpu.memory_space<vmem_shared>>
      tpu.wait_dma2 semaphore(%run_scoped3A : memref<!tpu.dma_semaphore, #tpu.memory_space<semaphore_mem>>) src(%arg6 : memref<128x128xf32, #tpu.memory_space<vmem>>) dst(%dma_wait3A_83 : memref<128x128xf32, #tpu.memory_space<vmem_shared>>)
      tpu.yield
    }) : () -> ()
    %mul3A_20 = arith.constant 640 : i32
    %mul3A_21 = arith.muli %arg1, %mul3A_20 : i32
    %add3A_22 = arith.constant 256 : i32
    %add3A_23 = arith.addi %mul3A_21, %add3A_22 : i32
    "tpu.region"() ({
      %run_scoped3A = tpu.sem_alloc : memref<!tpu.dma_semaphore, #tpu.memory_space<semaphore_mem>>
      %dma_start3A = arith.constant 0 : i32
      %dma_start3A_78 = tpu.memref_slice %arg7[%add3A_23, %dma_start3A] : memref<10240x128xf32, #tpu.memory_space<vmem_shared>> -> memref<128x128xf32, #tpu.memory_space<vmem_shared>>
      %dma_start3A_79 = arith.constant 0 : i32
      %dma_start3A_80 = tpu.memref_slice %arg7[%add3A_23, %dma_start3A_79] : memref<10240x128xf32, #tpu.memory_space<vmem_shared>> -> memref<128x128xf32, #tpu.memory_space<vmem_shared>>
      tpu.enqueue_dma source(%arg6 : memref<128x128xf32, #tpu.memory_space<vmem>>) target(%dma_start3A_80 : memref<128x128xf32, #tpu.memory_space<vmem_shared>>) target_semaphore(%run_scoped3A : memref<!tpu.dma_semaphore, #tpu.memory_space<semaphore_mem>>)
      %dma_wait3A = arith.constant 0 : i32
      %dma_wait3A_81 = tpu.memref_slice %arg7[%add3A_23, %dma_wait3A] : memref<10240x128xf32, #tpu.memory_space<vmem_shared>> -> memref<128x128xf32, #tpu.memory_space<vmem_shared>>
      %dma_wait3A_82 = arith.constant 0 : i32
      %dma_wait3A_83 = tpu.memref_slice %arg7[%add3A_23, %dma_wait3A_82] : memref<10240x128xf32, #tpu.memory_space<vmem_shared>> -> memref<128x128xf32, #tpu.memory_space<vmem_shared>>
      tpu.wait_dma2 semaphore(%run_scoped3A : memref<!tpu.dma_semaphore, #tpu.memory_space<semaphore_mem>>) src(%arg6 : memref<128x128xf32, #tpu.memory_space<vmem>>) dst(%dma_wait3A_83 : memref<128x128xf32, #tpu.memory_space<vmem_shared>>)
      tpu.yield
    }) : () -> ()
    %mul3A_24 = arith.constant 640 : i32
    %mul3A_25 = arith.muli %arg1, %mul3A_24 : i32
    %add3A_26 = arith.constant 384 : i32
    %add3A_27 = arith.addi %mul3A_25, %add3A_26 : i32
    "tpu.region"() ({
      %run_scoped3A = tpu.sem_alloc : memref<!tpu.dma_semaphore, #tpu.memory_space<semaphore_mem>>
      %dma_start3A = arith.constant 0 : i32
      %dma_start3A_78 = tpu.memref_slice %arg7[%add3A_27, %dma_start3A] : memref<10240x128xf32, #tpu.memory_space<vmem_shared>> -> memref<128x128xf32, #tpu.memory_space<vmem_shared>>
      %dma_start3A_79 = arith.constant 0 : i32
      %dma_start3A_80 = tpu.memref_slice %arg7[%add3A_27, %dma_start3A_79] : memref<10240x128xf32, #tpu.memory_space<vmem_shared>> -> memref<128x128xf32, #tpu.memory_space<vmem_shared>>
      tpu.enqueue_dma source(%arg6 : memref<128x128xf32, #tpu.memory_space<vmem>>) target(%dma_start3A_80 : memref<128x128xf32, #tpu.memory_space<vmem_shared>>) target_semaphore(%run_scoped3A : memref<!tpu.dma_semaphore, #tpu.memory_space<semaphore_mem>>)
      %dma_wait3A = arith.constant 0 : i32
      %dma_wait3A_81 = tpu.memref_slice %arg7[%add3A_27, %dma_wait3A] : memref<10240x128xf32, #tpu.memory_space<vmem_shared>> -> memref<128x128xf32, #tpu.memory_space<vmem_shared>>
      %dma_wait3A_82 = arith.constant 0 : i32
      %dma_wait3A_83 = tpu.memref_slice %arg7[%add3A_27, %dma_wait3A_82] : memref<10240x128xf32, #tpu.memory_space<vmem_shared>> -> memref<128x128xf32, #tpu.memory_space<vmem_shared>>
      tpu.wait_dma2 semaphore(%run_scoped3A : memref<!tpu.dma_semaphore, #tpu.memory_space<semaphore_mem>>) src(%arg6 : memref<128x128xf32, #tpu.memory_space<vmem>>) dst(%dma_wait3A_83 : memref<128x128xf32, #tpu.memory_space<vmem_shared>>)
      tpu.yield
    }) : () -> ()
    %mul3A_28 = arith.constant 640 : i32
    %mul3A_29 = arith.muli %arg1, %mul3A_28 : i32
    %add3A_30 = arith.constant 512 : i32
    %add3A_31 = arith.addi %mul3A_29, %add3A_30 : i32
    "tpu.region"() ({
      %run_scoped3A = tpu.sem_alloc : memref<!tpu.dma_semaphore, #tpu.memory_space<semaphore_mem>>
      %dma_start3A = arith.constant 0 : i32
      %dma_start3A_78 = tpu.memref_slice %arg7[%add3A_31, %dma_start3A] : memref<10240x128xf32, #tpu.memory_space<vmem_shared>> -> memref<128x128xf32, #tpu.memory_space<vmem_shared>>
      %dma_start3A_79 = arith.constant 0 : i32
      %dma_start3A_80 = tpu.memref_slice %arg7[%add3A_31, %dma_start3A_79] : memref<10240x128xf32, #tpu.memory_space<vmem_shared>> -> memref<128x128xf32, #tpu.memory_space<vmem_shared>>
      tpu.enqueue_dma source(%arg6 : memref<128x128xf32, #tpu.memory_space<vmem>>) target(%dma_start3A_80 : memref<128x128xf32, #tpu.memory_space<vmem_shared>>) target_semaphore(%run_scoped3A : memref<!tpu.dma_semaphore, #tpu.memory_space<semaphore_mem>>)
      %dma_wait3A = arith.constant 0 : i32
      %dma_wait3A_81 = tpu.memref_slice %arg7[%add3A_31, %dma_wait3A] : memref<10240x128xf32, #tpu.memory_space<vmem_shared>> -> memref<128x128xf32, #tpu.memory_space<vmem_shared>>
      %dma_wait3A_82 = arith.constant 0 : i32
      %dma_wait3A_83 = tpu.memref_slice %arg7[%add3A_31, %dma_wait3A_82] : memref<10240x128xf32, #tpu.memory_space<vmem_shared>> -> memref<128x128xf32, #tpu.memory_space<vmem_shared>>
      tpu.wait_dma2 semaphore(%run_scoped3A : memref<!tpu.dma_semaphore, #tpu.memory_space<semaphore_mem>>) src(%arg6 : memref<128x128xf32, #tpu.memory_space<vmem>>) dst(%dma_wait3A_83 : memref<128x128xf32, #tpu.memory_space<vmem_shared>>)
      tpu.yield
    }) : () -> ()
    %barrier3A = arith.constant 0 : index
    tpu.barrier barrier_id(%barrier3A)
    %scan3A_32 = arith.constant 0 : i32
    %scan3A_33 = arith.constant 80 : i32
    %scan3A_34 = arith.addi %scan3A_32, %scan3A_33 : i32
    %scan3A_35 = arith.constant 1 : i32
    scf.for %scan3A_78 = %scan3A_32 to %scan3A_34 step %scan3A_35  : i32 {
      %mul3A_79 = arith.constant 1 : i32
      %mul3A_80 = arith.muli %scan3A_78, %mul3A_79 : i32
      %add3A_81 = arith.constant 0 : i32
      %add3A_82 = arith.addi %add3A_81, %mul3A_80 : i32
      "tpu.region"() ({
        %run_scoped3A = tpu.sem_alloc : memref<!tpu.dma_semaphore, #tpu.memory_space<semaphore_mem>>
        %dma_start3A = arith.constant 0 : i32
        %dma_start3A_83 = tpu.memref_slice %arg4[%add3A_82, %dma_start3A] : memref<80x128xi32, #tpu.memory_space<vmem>> -> memref<1x128xi32, #tpu.memory_space<vmem>>
        %dma_start3A_84 = tpu.memref_squeeze %dma_start3A_83 : memref<1x128xi32, #tpu.memory_space<vmem>> -> memref<128xi32, #tpu.memory_space<vmem>>
        %dma_start3A_85 = arith.constant 0 : i32
        %dma_start3A_86 = arith.constant 0 : i32
        %dma_start3A_87 = tpu.memref_slice %arg7[%dma_start3A_85, %dma_start3A_86] : memref<10240x128xf32, #tpu.memory_space<vmem_shared>> -> memref<10240x128xf32, #tpu.memory_space<vmem_shared>>
        tpu.enqueue_indirect_dma source(%arg5 : memref<128x128xf32, #tpu.memory_space<vmem>>) target(%dma_start3A_87 : memref<10240x128xf32, #tpu.memory_space<vmem_shared>>) offsets(%dma_start3A_84 : memref<128xi32, #tpu.memory_space<vmem>>) semaphore(%run_scoped3A : memref<!tpu.dma_semaphore, #tpu.memory_space<semaphore_mem>>) {add = true}
        %dma_wait3A = arith.constant 0 : i32
        %dma_wait3A_88 = tpu.memref_slice %arg4[%add3A_82, %dma_wait3A] : memref<80x128xi32, #tpu.memory_space<vmem>> -> memref<1x128xi32, #tpu.memory_space<vmem>>
        %dma_wait3A_89 = tpu.memref_squeeze %dma_wait3A_88 : memref<1x128xi32, #tpu.memory_space<vmem>> -> memref<128xi32, #tpu.memory_space<vmem>>
        %dma_wait3A_90 = arith.constant 0 : i32
        %dma_wait3A_91 = arith.constant 0 : i32
        %dma_wait3A_92 = tpu.memref_slice %arg7[%dma_wait3A_90, %dma_wait3A_91] : memref<10240x128xf32, #tpu.memory_space<vmem_shared>> -> memref<10240x128xf32, #tpu.memory_space<vmem_shared>>
        tpu.wait_indirect_dma semaphore(%run_scoped3A : memref<!tpu.dma_semaphore, #tpu.memory_space<semaphore_mem>>) src(%arg5 : memref<128x128xf32, #tpu.memory_space<vmem>>) dst(%dma_wait3A_92 : memref<10240x128xf32, #tpu.memory_space<vmem_shared>>)
        tpu.yield
      }) : () -> ()
    }
    %scan3A_36 = arith.constant 80 : i32
    %barrier3A_37 = arith.constant 0 : index
    tpu.barrier barrier_id(%barrier3A_37)
    %mul3A_38 = arith.constant 640 : i32
    %mul3A_39 = arith.muli %arg1, %mul3A_38 : i32
    %add3A_40 = arith.constant 0 : i32
    %add3A_41 = arith.addi %mul3A_39, %add3A_40 : i32
    "tpu.region"() ({
      %run_scoped3A = tpu.sem_alloc : memref<!tpu.dma_semaphore, #tpu.memory_space<semaphore_mem>>
      %dma_start3A = arith.constant 0 : i32
      %dma_start3A_78 = tpu.memref_slice %arg7[%add3A_41, %dma_start3A] : memref<10240x128xf32, #tpu.memory_space<vmem_shared>> -> memref<128x128xf32, #tpu.memory_space<vmem_shared>>
      %dma_start3A_79 = arith.constant 0 : i32
      %dma_start3A_80 = tpu.memref_slice %arg7[%add3A_41, %dma_start3A_79] : memref<10240x128xf32, #tpu.memory_space<vmem_shared>> -> memref<128x128xf32, #tpu.memory_space<vmem_shared>>
      tpu.enqueue_dma source(%dma_start3A_80 : memref<128x128xf32, #tpu.memory_space<vmem_shared>>) target(%arg6 : memref<128x128xf32, #tpu.memory_space<vmem>>) target_semaphore(%run_scoped3A : memref<!tpu.dma_semaphore, #tpu.memory_space<semaphore_mem>>)
      %dma_wait3A = arith.constant 0 : i32
      %dma_wait3A_81 = tpu.memref_slice %arg7[%add3A_41, %dma_wait3A] : memref<10240x128xf32, #tpu.memory_space<vmem_shared>> -> memref<128x128xf32, #tpu.memory_space<vmem_shared>>
      %dma_wait3A_82 = arith.constant 0 : i32
      %dma_wait3A_83 = tpu.memref_slice %arg7[%add3A_41, %dma_wait3A_82] : memref<10240x128xf32, #tpu.memory_space<vmem_shared>> -> memref<128x128xf32, #tpu.memory_space<vmem_shared>>
      tpu.wait_dma2 semaphore(%run_scoped3A : memref<!tpu.dma_semaphore, #tpu.memory_space<semaphore_mem>>) src(%dma_wait3A_83 : memref<128x128xf32, #tpu.memory_space<vmem_shared>>) dst(%arg6 : memref<128x128xf32, #tpu.memory_space<vmem>>)
      tpu.yield
    }) : () -> ()
    %mul3A_42 = arith.constant 640 : i32
    %mul3A_43 = arith.muli %arg1, %mul3A_42 : i32
    %add3A_44 = arith.constant 0 : i32
    %add3A_45 = arith.addi %mul3A_43, %add3A_44 : i32
    "tpu.region"() ({
      %run_scoped3A = tpu.sem_alloc : memref<!tpu.dma_semaphore, #tpu.memory_space<semaphore_mem>>
      %dma_start3A = arith.constant 0 : i32
      %dma_start3A_78 = tpu.memref_slice %arg3[%arg0, %add3A_45, %dma_start3A] : memref<2x10240x128xf32, #tpu.memory_space<hbm>> -> memref<1x128x128xf32, #tpu.memory_space<hbm>>
      %dma_start3A_79 = tpu.memref_squeeze %dma_start3A_78 : memref<1x128x128xf32, #tpu.memory_space<hbm>> -> memref<128x128xf32, #tpu.memory_space<hbm>>
      %dma_start3A_80 = arith.constant 0 : i32
      %dma_start3A_81 = tpu.memref_slice %arg3[%arg0, %add3A_45, %dma_start3A_80] : memref<2x10240x128xf32, #tpu.memory_space<hbm>> -> memref<1x128x128xf32, #tpu.memory_space<hbm>>
      %dma_start3A_82 = tpu.memref_squeeze %dma_start3A_81 : memref<1x128x128xf32, #tpu.memory_space<hbm>> -> memref<128x128xf32, #tpu.memory_space<hbm>>
      tpu.enqueue_dma source(%arg6 : memref<128x128xf32, #tpu.memory_space<vmem>>) target(%dma_start3A_82 : memref<128x128xf32, #tpu.memory_space<hbm>>) target_semaphore(%run_scoped3A : memref<!tpu.dma_semaphore, #tpu.memory_space<semaphore_mem>>)
      %dma_wait3A = arith.constant 0 : i32
      %dma_wait3A_83 = tpu.memref_slice %arg3[%arg0, %add3A_45, %dma_wait3A] : memref<2x10240x128xf32, #tpu.memory_space<hbm>> -> memref<1x128x128xf32, #tpu.memory_space<hbm>>
      %dma_wait3A_84 = tpu.memref_squeeze %dma_wait3A_83 : memref<1x128x128xf32, #tpu.memory_space<hbm>> -> memref<128x128xf32, #tpu.memory_space<hbm>>
      %dma_wait3A_85 = arith.constant 0 : i32
      %dma_wait3A_86 = tpu.memref_slice %arg3[%arg0, %add3A_45, %dma_wait3A_85] : memref<2x10240x128xf32, #tpu.memory_space<hbm>> -> memref<1x128x128xf32, #tpu.memory_space<hbm>>
      %dma_wait3A_87 = tpu.memref_squeeze %dma_wait3A_86 : memref<1x128x128xf32, #tpu.memory_space<hbm>> -> memref<128x128xf32, #tpu.memory_space<hbm>>
      tpu.wait_dma2 semaphore(%run_scoped3A : memref<!tpu.dma_semaphore, #tpu.memory_space<semaphore_mem>>) src(%arg6 : memref<128x128xf32, #tpu.memory_space<vmem>>) dst(%dma_wait3A_87 : memref<128x128xf32, #tpu.memory_space<hbm>>)
      tpu.yield
    }) : () -> ()
    %mul3A_46 = arith.constant 640 : i32
    %mul3A_47 = arith.muli %arg1, %mul3A_46 : i32
    %add3A_48 = arith.constant 128 : i32
    %add3A_49 = arith.addi %mul3A_47, %add3A_48 : i32
    "tpu.region"() ({
      %run_scoped3A = tpu.sem_alloc : memref<!tpu.dma_semaphore, #tpu.memory_space<semaphore_mem>>
      %dma_start3A = arith.constant 0 : i32
      %dma_start3A_78 = tpu.memref_slice %arg7[%add3A_49, %dma_start3A] : memref<10240x128xf32, #tpu.memory_space<vmem_shared>> -> memref<128x128xf32, #tpu.memory_space<vmem_shared>>
      %dma_start3A_79 = arith.constant 0 : i32
      %dma_start3A_80 = tpu.memref_slice %arg7[%add3A_49, %dma_start3A_79] : memref<10240x128xf32, #tpu.memory_space<vmem_shared>> -> memref<128x128xf32, #tpu.memory_space<vmem_shared>>
      tpu.enqueue_dma source(%dma_start3A_80 : memref<128x128xf32, #tpu.memory_space<vmem_shared>>) target(%arg6 : memref<128x128xf32, #tpu.memory_space<vmem>>) target_semaphore(%run_scoped3A : memref<!tpu.dma_semaphore, #tpu.memory_space<semaphore_mem>>)
      %dma_wait3A = arith.constant 0 : i32
      %dma_wait3A_81 = tpu.memref_slice %arg7[%add3A_49, %dma_wait3A] : memref<10240x128xf32, #tpu.memory_space<vmem_shared>> -> memref<128x128xf32, #tpu.memory_space<vmem_shared>>
      %dma_wait3A_82 = arith.constant 0 : i32
      %dma_wait3A_83 = tpu.memref_slice %arg7[%add3A_49, %dma_wait3A_82] : memref<10240x128xf32, #tpu.memory_space<vmem_shared>> -> memref<128x128xf32, #tpu.memory_space<vmem_shared>>
      tpu.wait_dma2 semaphore(%run_scoped3A : memref<!tpu.dma_semaphore, #tpu.memory_space<semaphore_mem>>) src(%dma_wait3A_83 : memref<128x128xf32, #tpu.memory_space<vmem_shared>>) dst(%arg6 : memref<128x128xf32, #tpu.memory_space<vmem>>)
      tpu.yield
    }) : () -> ()
    %mul3A_50 = arith.constant 640 : i32
    %mul3A_51 = arith.muli %arg1, %mul3A_50 : i32
    %add3A_52 = arith.constant 128 : i32
    %add3A_53 = arith.addi %mul3A_51, %add3A_52 : i32
    "tpu.region"() ({
      %run_scoped3A = tpu.sem_alloc : memref<!tpu.dma_semaphore, #tpu.memory_space<semaphore_mem>>
      %dma_start3A = arith.constant 0 : i32
      %dma_start3A_78 = tpu.memref_slice %arg3[%arg0, %add3A_53, %dma_start3A] : memref<2x10240x128xf32, #tpu.memory_space<hbm>> -> memref<1x128x128xf32, #tpu.memory_space<hbm>>
      %dma_start3A_79 = tpu.memref_squeeze %dma_start3A_78 : memref<1x128x128xf32, #tpu.memory_space<hbm>> -> memref<128x128xf32, #tpu.memory_space<hbm>>
      %dma_start3A_80 = arith.constant 0 : i32
      %dma_start3A_81 = tpu.memref_slice %arg3[%arg0, %add3A_53, %dma_start3A_80] : memref<2x10240x128xf32, #tpu.memory_space<hbm>> -> memref<1x128x128xf32, #tpu.memory_space<hbm>>
      %dma_start3A_82 = tpu.memref_squeeze %dma_start3A_81 : memref<1x128x128xf32, #tpu.memory_space<hbm>> -> memref<128x128xf32, #tpu.memory_space<hbm>>
      tpu.enqueue_dma source(%arg6 : memref<128x128xf32, #tpu.memory_space<vmem>>) target(%dma_start3A_82 : memref<128x128xf32, #tpu.memory_space<hbm>>) target_semaphore(%run_scoped3A : memref<!tpu.dma_semaphore, #tpu.memory_space<semaphore_mem>>)
      %dma_wait3A = arith.constant 0 : i32
      %dma_wait3A_83 = tpu.memref_slice %arg3[%arg0, %add3A_53, %dma_wait3A] : memref<2x10240x128xf32, #tpu.memory_space<hbm>> -> memref<1x128x128xf32, #tpu.memory_space<hbm>>
      %dma_wait3A_84 = tpu.memref_squeeze %dma_wait3A_83 : memref<1x128x128xf32, #tpu.memory_space<hbm>> -> memref<128x128xf32, #tpu.memory_space<hbm>>
      %dma_wait3A_85 = arith.constant 0 : i32
      %dma_wait3A_86 = tpu.memref_slice %arg3[%arg0, %add3A_53, %dma_wait3A_85] : memref<2x10240x128xf32, #tpu.memory_space<hbm>> -> memref<1x128x128xf32, #tpu.memory_space<hbm>>
      %dma_wait3A_87 = tpu.memref_squeeze %dma_wait3A_86 : memref<1x128x128xf32, #tpu.memory_space<hbm>> -> memref<128x128xf32, #tpu.memory_space<hbm>>
      tpu.wait_dma2 semaphore(%run_scoped3A : memref<!tpu.dma_semaphore, #tpu.memory_space<semaphore_mem>>) src(%arg6 : memref<128x128xf32, #tpu.memory_space<vmem>>) dst(%dma_wait3A_87 : memref<128x128xf32, #tpu.memory_space<hbm>>)
      tpu.yield
    }) : () -> ()
    %mul3A_54 = arith.constant 640 : i32
    %mul3A_55 = arith.muli %arg1, %mul3A_54 : i32
    %add3A_56 = arith.constant 256 : i32
    %add3A_57 = arith.addi %mul3A_55, %add3A_56 : i32
    "tpu.region"() ({
      %run_scoped3A = tpu.sem_alloc : memref<!tpu.dma_semaphore, #tpu.memory_space<semaphore_mem>>
      %dma_start3A = arith.constant 0 : i32
      %dma_start3A_78 = tpu.memref_slice %arg7[%add3A_57, %dma_start3A] : memref<10240x128xf32, #tpu.memory_space<vmem_shared>> -> memref<128x128xf32, #tpu.memory_space<vmem_shared>>
      %dma_start3A_79 = arith.constant 0 : i32
      %dma_start3A_80 = tpu.memref_slice %arg7[%add3A_57, %dma_start3A_79] : memref<10240x128xf32, #tpu.memory_space<vmem_shared>> -> memref<128x128xf32, #tpu.memory_space<vmem_shared>>
      tpu.enqueue_dma source(%dma_start3A_80 : memref<128x128xf32, #tpu.memory_space<vmem_shared>>) target(%arg6 : memref<128x128xf32, #tpu.memory_space<vmem>>) target_semaphore(%run_scoped3A : memref<!tpu.dma_semaphore, #tpu.memory_space<semaphore_mem>>)
      %dma_wait3A = arith.constant 0 : i32
      %dma_wait3A_81 = tpu.memref_slice %arg7[%add3A_57, %dma_wait3A] : memref<10240x128xf32, #tpu.memory_space<vmem_shared>> -> memref<128x128xf32, #tpu.memory_space<vmem_shared>>
      %dma_wait3A_82 = arith.constant 0 : i32
      %dma_wait3A_83 = tpu.memref_slice %arg7[%add3A_57, %dma_wait3A_82] : memref<10240x128xf32, #tpu.memory_space<vmem_shared>> -> memref<128x128xf32, #tpu.memory_space<vmem_shared>>
      tpu.wait_dma2 semaphore(%run_scoped3A : memref<!tpu.dma_semaphore, #tpu.memory_space<semaphore_mem>>) src(%dma_wait3A_83 : memref<128x128xf32, #tpu.memory_space<vmem_shared>>) dst(%arg6 : memref<128x128xf32, #tpu.memory_space<vmem>>)
      tpu.yield
    }) : () -> ()
    %mul3A_58 = arith.constant 640 : i32
    %mul3A_59 = arith.muli %arg1, %mul3A_58 : i32
    %add3A_60 = arith.constant 256 : i32
    %add3A_61 = arith.addi %mul3A_59, %add3A_60 : i32
    "tpu.region"() ({
      %run_scoped3A = tpu.sem_alloc : memref<!tpu.dma_semaphore, #tpu.memory_space<semaphore_mem>>
      %dma_start3A = arith.constant 0 : i32
      %dma_start3A_78 = tpu.memref_slice %arg3[%arg0, %add3A_61, %dma_start3A] : memref<2x10240x128xf32, #tpu.memory_space<hbm>> -> memref<1x128x128xf32, #tpu.memory_space<hbm>>
      %dma_start3A_79 = tpu.memref_squeeze %dma_start3A_78 : memref<1x128x128xf32, #tpu.memory_space<hbm>> -> memref<128x128xf32, #tpu.memory_space<hbm>>
      %dma_start3A_80 = arith.constant 0 : i32
      %dma_start3A_81 = tpu.memref_slice %arg3[%arg0, %add3A_61, %dma_start3A_80] : memref<2x10240x128xf32, #tpu.memory_space<hbm>> -> memref<1x128x128xf32, #tpu.memory_space<hbm>>
      %dma_start3A_82 = tpu.memref_squeeze %dma_start3A_81 : memref<1x128x128xf32, #tpu.memory_space<hbm>> -> memref<128x128xf32, #tpu.memory_space<hbm>>
      tpu.enqueue_dma source(%arg6 : memref<128x128xf32, #tpu.memory_space<vmem>>) target(%dma_start3A_82 : memref<128x128xf32, #tpu.memory_space<hbm>>) target_semaphore(%run_scoped3A : memref<!tpu.dma_semaphore, #tpu.memory_space<semaphore_mem>>)
      %dma_wait3A = arith.constant 0 : i32
      %dma_wait3A_83 = tpu.memref_slice %arg3[%arg0, %add3A_61, %dma_wait3A] : memref<2x10240x128xf32, #tpu.memory_space<hbm>> -> memref<1x128x128xf32, #tpu.memory_space<hbm>>
      %dma_wait3A_84 = tpu.memref_squeeze %dma_wait3A_83 : memref<1x128x128xf32, #tpu.memory_space<hbm>> -> memref<128x128xf32, #tpu.memory_space<hbm>>
      %dma_wait3A_85 = arith.constant 0 : i32
      %dma_wait3A_86 = tpu.memref_slice %arg3[%arg0, %add3A_61, %dma_wait3A_85] : memref<2x10240x128xf32, #tpu.memory_space<hbm>> -> memref<1x128x128xf32, #tpu.memory_space<hbm>>
      %dma_wait3A_87 = tpu.memref_squeeze %dma_wait3A_86 : memref<1x128x128xf32, #tpu.memory_space<hbm>> -> memref<128x128xf32, #tpu.memory_space<hbm>>
      tpu.wait_dma2 semaphore(%run_scoped3A : memref<!tpu.dma_semaphore, #tpu.memory_space<semaphore_mem>>) src(%arg6 : memref<128x128xf32, #tpu.memory_space<vmem>>) dst(%dma_wait3A_87 : memref<128x128xf32, #tpu.memory_space<hbm>>)
      tpu.yield
    }) : () -> ()
    %mul3A_62 = arith.constant 640 : i32
    %mul3A_63 = arith.muli %arg1, %mul3A_62 : i32
    %add3A_64 = arith.constant 384 : i32
    %add3A_65 = arith.addi %mul3A_63, %add3A_64 : i32
    "tpu.region"() ({
      %run_scoped3A = tpu.sem_alloc : memref<!tpu.dma_semaphore, #tpu.memory_space<semaphore_mem>>
      %dma_start3A = arith.constant 0 : i32
      %dma_start3A_78 = tpu.memref_slice %arg7[%add3A_65, %dma_start3A] : memref<10240x128xf32, #tpu.memory_space<vmem_shared>> -> memref<128x128xf32, #tpu.memory_space<vmem_shared>>
      %dma_start3A_79 = arith.constant 0 : i32
      %dma_start3A_80 = tpu.memref_slice %arg7[%add3A_65, %dma_start3A_79] : memref<10240x128xf32, #tpu.memory_space<vmem_shared>> -> memref<128x128xf32, #tpu.memory_space<vmem_shared>>
      tpu.enqueue_dma source(%dma_start3A_80 : memref<128x128xf32, #tpu.memory_space<vmem_shared>>) target(%arg6 : memref<128x128xf32, #tpu.memory_space<vmem>>) target_semaphore(%run_scoped3A : memref<!tpu.dma_semaphore, #tpu.memory_space<semaphore_mem>>)
      %dma_wait3A = arith.constant 0 : i32
      %dma_wait3A_81 = tpu.memref_slice %arg7[%add3A_65, %dma_wait3A] : memref<10240x128xf32, #tpu.memory_space<vmem_shared>> -> memref<128x128xf32, #tpu.memory_space<vmem_shared>>
      %dma_wait3A_82 = arith.constant 0 : i32
      %dma_wait3A_83 = tpu.memref_slice %arg7[%add3A_65, %dma_wait3A_82] : memref<10240x128xf32, #tpu.memory_space<vmem_shared>> -> memref<128x128xf32, #tpu.memory_space<vmem_shared>>
      tpu.wait_dma2 semaphore(%run_scoped3A : memref<!tpu.dma_semaphore, #tpu.memory_space<semaphore_mem>>) src(%dma_wait3A_83 : memref<128x128xf32, #tpu.memory_space<vmem_shared>>) dst(%arg6 : memref<128x128xf32, #tpu.memory_space<vmem>>)
      tpu.yield
    }) : () -> ()
    %mul3A_66 = arith.constant 640 : i32
    %mul3A_67 = arith.muli %arg1, %mul3A_66 : i32
    %add3A_68 = arith.constant 384 : i32
    %add3A_69 = arith.addi %mul3A_67, %add3A_68 : i32
    "tpu.region"() ({
      %run_scoped3A = tpu.sem_alloc : memref<!tpu.dma_semaphore, #tpu.memory_space<semaphore_mem>>
      %dma_start3A = arith.constant 0 : i32
      %dma_start3A_78 = tpu.memref_slice %arg3[%arg0, %add3A_69, %dma_start3A] : memref<2x10240x128xf32, #tpu.memory_space<hbm>> -> memref<1x128x128xf32, #tpu.memory_space<hbm>>
      %dma_start3A_79 = tpu.memref_squeeze %dma_start3A_78 : memref<1x128x128xf32, #tpu.memory_space<hbm>> -> memref<128x128xf32, #tpu.memory_space<hbm>>
      %dma_start3A_80 = arith.constant 0 : i32
      %dma_start3A_81 = tpu.memref_slice %arg3[%arg0, %add3A_69, %dma_start3A_80] : memref<2x10240x128xf32, #tpu.memory_space<hbm>> -> memref<1x128x128xf32, #tpu.memory_space<hbm>>
      %dma_start3A_82 = tpu.memref_squeeze %dma_start3A_81 : memref<1x128x128xf32, #tpu.memory_space<hbm>> -> memref<128x128xf32, #tpu.memory_space<hbm>>
      tpu.enqueue_dma source(%arg6 : memref<128x128xf32, #tpu.memory_space<vmem>>) target(%dma_start3A_82 : memref<128x128xf32, #tpu.memory_space<hbm>>) target_semaphore(%run_scoped3A : memref<!tpu.dma_semaphore, #tpu.memory_space<semaphore_mem>>)
      %dma_wait3A = arith.constant 0 : i32
      %dma_wait3A_83 = tpu.memref_slice %arg3[%arg0, %add3A_69, %dma_wait3A] : memref<2x10240x128xf32, #tpu.memory_space<hbm>> -> memref<1x128x128xf32, #tpu.memory_space<hbm>>
      %dma_wait3A_84 = tpu.memref_squeeze %dma_wait3A_83 : memref<1x128x128xf32, #tpu.memory_space<hbm>> -> memref<128x128xf32, #tpu.memory_space<hbm>>
      %dma_wait3A_85 = arith.constant 0 : i32
      %dma_wait3A_86 = tpu.memref_slice %arg3[%arg0, %add3A_69, %dma_wait3A_85] : memref<2x10240x128xf32, #tpu.memory_space<hbm>> -> memref<1x128x128xf32, #tpu.memory_space<hbm>>
      %dma_wait3A_87 = tpu.memref_squeeze %dma_wait3A_86 : memref<1x128x128xf32, #tpu.memory_space<hbm>> -> memref<128x128xf32, #tpu.memory_space<hbm>>
      tpu.wait_dma2 semaphore(%run_scoped3A : memref<!tpu.dma_semaphore, #tpu.memory_space<semaphore_mem>>) src(%arg6 : memref<128x128xf32, #tpu.memory_space<vmem>>) dst(%dma_wait3A_87 : memref<128x128xf32, #tpu.memory_space<hbm>>)
      tpu.yield
    }) : () -> ()
    %mul3A_70 = arith.constant 640 : i32
    %mul3A_71 = arith.muli %arg1, %mul3A_70 : i32
    %add3A_72 = arith.constant 512 : i32
    %add3A_73 = arith.addi %mul3A_71, %add3A_72 : i32
    "tpu.region"() ({
      %run_scoped3A = tpu.sem_alloc : memref<!tpu.dma_semaphore, #tpu.memory_space<semaphore_mem>>
      %dma_start3A = arith.constant 0 : i32
      %dma_start3A_78 = tpu.memref_slice %arg7[%add3A_73, %dma_start3A] : memref<10240x128xf32, #tpu.memory_space<vmem_shared>> -> memref<128x128xf32, #tpu.memory_space<vmem_shared>>
      %dma_start3A_79 = arith.constant 0 : i32
      %dma_start3A_80 = tpu.memref_slice %arg7[%add3A_73, %dma_start3A_79] : memref<10240x128xf32, #tpu.memory_space<vmem_shared>> -> memref<128x128xf32, #tpu.memory_space<vmem_shared>>
      tpu.enqueue_dma source(%dma_start3A_80 : memref<128x128xf32, #tpu.memory_space<vmem_shared>>) target(%arg6 : memref<128x128xf32, #tpu.memory_space<vmem>>) target_semaphore(%run_scoped3A : memref<!tpu.dma_semaphore, #tpu.memory_space<semaphore_mem>>)
      %dma_wait3A = arith.constant 0 : i32
      %dma_wait3A_81 = tpu.memref_slice %arg7[%add3A_73, %dma_wait3A] : memref<10240x128xf32, #tpu.memory_space<vmem_shared>> -> memref<128x128xf32, #tpu.memory_space<vmem_shared>>
      %dma_wait3A_82 = arith.constant 0 : i32
      %dma_wait3A_83 = tpu.memref_slice %arg7[%add3A_73, %dma_wait3A_82] : memref<10240x128xf32, #tpu.memory_space<vmem_shared>> -> memref<128x128xf32, #tpu.memory_space<vmem_shared>>
      tpu.wait_dma2 semaphore(%run_scoped3A : memref<!tpu.dma_semaphore, #tpu.memory_space<semaphore_mem>>) src(%dma_wait3A_83 : memref<128x128xf32, #tpu.memory_space<vmem_shared>>) dst(%arg6 : memref<128x128xf32, #tpu.memory_space<vmem>>)
      tpu.yield
    }) : () -> ()
    %mul3A_74 = arith.constant 640 : i32
    %mul3A_75 = arith.muli %arg1, %mul3A_74 : i32
    %add3A_76 = arith.constant 512 : i32
    %add3A_77 = arith.addi %mul3A_75, %add3A_76 : i32
    "tpu.region"() ({
      %run_scoped3A = tpu.sem_alloc : memref<!tpu.dma_semaphore, #tpu.memory_space<semaphore_mem>>
      %dma_start3A = arith.constant 0 : i32
      %dma_start3A_78 = tpu.memref_slice %arg3[%arg0, %add3A_77, %dma_start3A] : memref<2x10240x128xf32, #tpu.memory_space<hbm>> -> memref<1x128x128xf32, #tpu.memory_space<hbm>>
      %dma_start3A_79 = tpu.memref_squeeze %dma_start3A_78 : memref<1x128x128xf32, #tpu.memory_space<hbm>> -> memref<128x128xf32, #tpu.memory_space<hbm>>
      %dma_start3A_80 = arith.constant 0 : i32
      %dma_start3A_81 = tpu.memref_slice %arg3[%arg0, %add3A_77, %dma_start3A_80] : memref<2x10240x128xf32, #tpu.memory_space<hbm>> -> memref<1x128x128xf32, #tpu.memory_space<hbm>>
      %dma_start3A_82 = tpu.memref_squeeze %dma_start3A_81 : memref<1x128x128xf32, #tpu.memory_space<hbm>> -> memref<128x128xf32, #tpu.memory_space<hbm>>
      tpu.enqueue_dma source(%arg6 : memref<128x128xf32, #tpu.memory_space<vmem>>) target(%dma_start3A_82 : memref<128x128xf32, #tpu.memory_space<hbm>>) target_semaphore(%run_scoped3A : memref<!tpu.dma_semaphore, #tpu.memory_space<semaphore_mem>>)
      %dma_wait3A = arith.constant 0 : i32
      %dma_wait3A_83 = tpu.memref_slice %arg3[%arg0, %add3A_77, %dma_wait3A] : memref<2x10240x128xf32, #tpu.memory_space<hbm>> -> memref<1x128x128xf32, #tpu.memory_space<hbm>>
      %dma_wait3A_84 = tpu.memref_squeeze %dma_wait3A_83 : memref<1x128x128xf32, #tpu.memory_space<hbm>> -> memref<128x128xf32, #tpu.memory_space<hbm>>
      %dma_wait3A_85 = arith.constant 0 : i32
      %dma_wait3A_86 = tpu.memref_slice %arg3[%arg0, %add3A_77, %dma_wait3A_85] : memref<2x10240x128xf32, #tpu.memory_space<hbm>> -> memref<1x128x128xf32, #tpu.memory_space<hbm>>
      %dma_wait3A_87 = tpu.memref_squeeze %dma_wait3A_86 : memref<1x128x128xf32, #tpu.memory_space<hbm>> -> memref<128x128xf32, #tpu.memory_space<hbm>>
      tpu.wait_dma2 semaphore(%run_scoped3A : memref<!tpu.dma_semaphore, #tpu.memory_space<semaphore_mem>>) src(%arg6 : memref<128x128xf32, #tpu.memory_space<vmem>>) dst(%dma_wait3A_87 : memref<128x128xf32, #tpu.memory_space<hbm>>)
      tpu.yield
    }) : () -> ()
    return
  }
}

#map = affine_map<(d0, d1) -> (0, 0)>
#map1 = affine_map<(d0, d1) -> (0, 0, 0)>
module attributes {stable_mosaic.version = 14 : i64} {
  func.func @_sc_scatter(%arg0: i32, %arg1: i32, %arg2: memref<10000x128xf32, #tpu.memory_space<hbm>>, %arg3: memref<2560x128xi32, #tpu.memory_space<hbm>>, %arg4: memref<2560x128xi32, #tpu.memory_space<hbm>>, %arg5: memref<2x10240x128xf32, #tpu.memory_space<hbm>>, %arg6: memref<40x128xi32, #tpu.memory_space<vmem>>, %arg7: memref<40x128xi32, #tpu.memory_space<vmem>>, %arg8: memref<128x128xf32, #tpu.memory_space<vmem>>, %arg9: memref<128x128xf32, #tpu.memory_space<vmem>>, %arg10: memref<10240x128xf32, #tpu.memory_space<vmem_shared>>, %arg11: memref<!tpu.dma_semaphore, #tpu.memory_space<semaphore_mem>>, %arg12: memref<!tpu.dma_semaphore, #tpu.memory_space<semaphore_mem>>) attributes {dimension_semantics = [#tpu.dimension_semantics<core_parallel>, #tpu.dimension_semantics<subcore_parallel>], iteration_bounds = array<i64: 2, 16>, scalar_prefetch = 0 : i64, scratch_operands = 7 : i64, tpu.core_type = #tpu.core_type<sc_vector_subcore>, window_params = [{transform_indices = #map}, {transform_indices = #map}, {transform_indices = #map}, {transform_indices = #map1}]} {
    %mul3A = arith.constant 16 : i32
    %mul3A_0 = arith.muli %arg0, %mul3A : i32
    %add3A = arith.addi %mul3A_0, %arg1 : i32
    %scan3A = arith.constant 0 : i32
    %scan3A_1 = arith.constant 128 : i32
    %scan3A_2 = arith.addi %scan3A, %scan3A_1 : i32
    %scan3A_3 = arith.constant 1 : i32
    scf.for %scan3A_111 = %scan3A to %scan3A_2 step %scan3A_3  : i32 {
      %mul3A_112 = arith.constant 1 : i32
      %mul3A_113 = arith.muli %scan3A_111, %mul3A_112 : i32
      %add3A_114 = arith.constant 0 : i32
      %add3A_115 = arith.addi %add3A_114, %mul3A_113 : i32
      %scan3A_116 = arith.constant 0 : i32
      %scan3A_117 = arith.constant 8 : i32
      %scan3A_118 = arith.addi %scan3A_116, %scan3A_117 : i32
      %scan3A_119 = arith.constant 1 : i32
      scf.for %scan3A_121 = %scan3A_116 to %scan3A_118 step %scan3A_119  : i32 {
        %mul3A_122 = arith.constant 16 : i32
        %mul3A_123 = arith.muli %scan3A_121, %mul3A_122 : i32
        %add3A_124 = arith.constant 0 : i32
        %add3A_125 = arith.addi %add3A_124, %mul3A_123 : i32
        %broadcast_in_dim3A = arith.constant 0.000000e+00 : f32
        %broadcast_in_dim3A_126 = vector.broadcast %broadcast_in_dim3A : f32 to vector<16xf32>
        %swap3A = arith.index_cast %add3A_115 : i32 to index
        %swap3A_127 = arith.index_cast %add3A_125 : i32 to index
        %swap3A_128 = tpu.vector_load %arg8[%swap3A, %swap3A_127] {strides = array<i32>} : memref<128x128xf32, #tpu.memory_space<vmem>>, vector<1x16xf32>,
        %swap3A_129 = vector.shape_cast %swap3A_128 : vector<1x16xf32> to vector<16xf32>
        %swap3A_130 = vector.shape_cast %broadcast_in_dim3A_126 : vector<16xf32> to vector<1x16xf32>
        tpu.vector_store %arg8[%swap3A, %swap3A_127], %swap3A_130 {strides = array<i32>} : memref<128x128xf32, #tpu.memory_space<vmem>>, vector<1x16xf32>,
      }
      %scan3A_120 = arith.constant 8 : i32
    }
    %scan3A_4 = arith.constant 128 : i32
    %mul3A_5 = arith.constant 640 : i32
    %mul3A_6 = arith.muli %arg1, %mul3A_5 : i32
    %add3A_7 = arith.constant 0 : i32
    %add3A_8 = arith.addi %mul3A_6, %add3A_7 : i32
    "tpu.region"() ({
      %run_scoped3A = tpu.sem_alloc : memref<!tpu.dma_semaphore, #tpu.memory_space<semaphore_mem>>
      %dma_start3A_111 = arith.constant 0 : i32
      %dma_start3A_112 = tpu.memref_slice %arg10[%add3A_8, %dma_start3A_111] : memref<10240x128xf32, #tpu.memory_space<vmem_shared>> -> memref<128x128xf32, #tpu.memory_space<vmem_shared>>
      %dma_start3A_113 = arith.constant 0 : i32
      %dma_start3A_114 = tpu.memref_slice %arg10[%add3A_8, %dma_start3A_113] : memref<10240x128xf32, #tpu.memory_space<vmem_shared>> -> memref<128x128xf32, #tpu.memory_space<vmem_shared>>
      tpu.enqueue_dma source(%arg8 : memref<128x128xf32, #tpu.memory_space<vmem>>) target(%dma_start3A_114 : memref<128x128xf32, #tpu.memory_space<vmem_shared>>) target_semaphore(%run_scoped3A : memref<!tpu.dma_semaphore, #tpu.memory_space<semaphore_mem>>)
      %dma_wait3A = arith.constant 0 : i32
      %dma_wait3A_115 = tpu.memref_slice %arg10[%add3A_8, %dma_wait3A] : memref<10240x128xf32, #tpu.memory_space<vmem_shared>> -> memref<128x128xf32, #tpu.memory_space<vmem_shared>>
      %dma_wait3A_116 = arith.constant 0 : i32
      %dma_wait3A_117 = tpu.memref_slice %arg10[%add3A_8, %dma_wait3A_116] : memref<10240x128xf32, #tpu.memory_space<vmem_shared>> -> memref<128x128xf32, #tpu.memory_space<vmem_shared>>
      tpu.wait_dma2 semaphore(%run_scoped3A : memref<!tpu.dma_semaphore, #tpu.memory_space<semaphore_mem>>) src(%arg8 : memref<128x128xf32, #tpu.memory_space<vmem>>) dst(%dma_wait3A_117 : memref<128x128xf32, #tpu.memory_space<vmem_shared>>)
      tpu.yield
    }) : () -> ()
    %mul3A_9 = arith.constant 640 : i32
    %mul3A_10 = arith.muli %arg1, %mul3A_9 : i32
    %add3A_11 = arith.constant 128 : i32
    %add3A_12 = arith.addi %mul3A_10, %add3A_11 : i32
    "tpu.region"() ({
      %run_scoped3A = tpu.sem_alloc : memref<!tpu.dma_semaphore, #tpu.memory_space<semaphore_mem>>
      %dma_start3A_111 = arith.constant 0 : i32
      %dma_start3A_112 = tpu.memref_slice %arg10[%add3A_12, %dma_start3A_111] : memref<10240x128xf32, #tpu.memory_space<vmem_shared>> -> memref<128x128xf32, #tpu.memory_space<vmem_shared>>
      %dma_start3A_113 = arith.constant 0 : i32
      %dma_start3A_114 = tpu.memref_slice %arg10[%add3A_12, %dma_start3A_113] : memref<10240x128xf32, #tpu.memory_space<vmem_shared>> -> memref<128x128xf32, #tpu.memory_space<vmem_shared>>
      tpu.enqueue_dma source(%arg8 : memref<128x128xf32, #tpu.memory_space<vmem>>) target(%dma_start3A_114 : memref<128x128xf32, #tpu.memory_space<vmem_shared>>) target_semaphore(%run_scoped3A : memref<!tpu.dma_semaphore, #tpu.memory_space<semaphore_mem>>)
      %dma_wait3A = arith.constant 0 : i32
      %dma_wait3A_115 = tpu.memref_slice %arg10[%add3A_12, %dma_wait3A] : memref<10240x128xf32, #tpu.memory_space<vmem_shared>> -> memref<128x128xf32, #tpu.memory_space<vmem_shared>>
      %dma_wait3A_116 = arith.constant 0 : i32
      %dma_wait3A_117 = tpu.memref_slice %arg10[%add3A_12, %dma_wait3A_116] : memref<10240x128xf32, #tpu.memory_space<vmem_shared>> -> memref<128x128xf32, #tpu.memory_space<vmem_shared>>
      tpu.wait_dma2 semaphore(%run_scoped3A : memref<!tpu.dma_semaphore, #tpu.memory_space<semaphore_mem>>) src(%arg8 : memref<128x128xf32, #tpu.memory_space<vmem>>) dst(%dma_wait3A_117 : memref<128x128xf32, #tpu.memory_space<vmem_shared>>)
      tpu.yield
    }) : () -> ()
    %mul3A_13 = arith.constant 640 : i32
    %mul3A_14 = arith.muli %arg1, %mul3A_13 : i32
    %add3A_15 = arith.constant 256 : i32
    %add3A_16 = arith.addi %mul3A_14, %add3A_15 : i32
    "tpu.region"() ({
      %run_scoped3A = tpu.sem_alloc : memref<!tpu.dma_semaphore, #tpu.memory_space<semaphore_mem>>
      %dma_start3A_111 = arith.constant 0 : i32
      %dma_start3A_112 = tpu.memref_slice %arg10[%add3A_16, %dma_start3A_111] : memref<10240x128xf32, #tpu.memory_space<vmem_shared>> -> memref<128x128xf32, #tpu.memory_space<vmem_shared>>
      %dma_start3A_113 = arith.constant 0 : i32
      %dma_start3A_114 = tpu.memref_slice %arg10[%add3A_16, %dma_start3A_113] : memref<10240x128xf32, #tpu.memory_space<vmem_shared>> -> memref<128x128xf32, #tpu.memory_space<vmem_shared>>
      tpu.enqueue_dma source(%arg8 : memref<128x128xf32, #tpu.memory_space<vmem>>) target(%dma_start3A_114 : memref<128x128xf32, #tpu.memory_space<vmem_shared>>) target_semaphore(%run_scoped3A : memref<!tpu.dma_semaphore, #tpu.memory_space<semaphore_mem>>)
      %dma_wait3A = arith.constant 0 : i32
      %dma_wait3A_115 = tpu.memref_slice %arg10[%add3A_16, %dma_wait3A] : memref<10240x128xf32, #tpu.memory_space<vmem_shared>> -> memref<128x128xf32, #tpu.memory_space<vmem_shared>>
      %dma_wait3A_116 = arith.constant 0 : i32
      %dma_wait3A_117 = tpu.memref_slice %arg10[%add3A_16, %dma_wait3A_116] : memref<10240x128xf32, #tpu.memory_space<vmem_shared>> -> memref<128x128xf32, #tpu.memory_space<vmem_shared>>
      tpu.wait_dma2 semaphore(%run_scoped3A : memref<!tpu.dma_semaphore, #tpu.memory_space<semaphore_mem>>) src(%arg8 : memref<128x128xf32, #tpu.memory_space<vmem>>) dst(%dma_wait3A_117 : memref<128x128xf32, #tpu.memory_space<vmem_shared>>)
      tpu.yield
    }) : () -> ()
    %mul3A_17 = arith.constant 640 : i32
    %mul3A_18 = arith.muli %arg1, %mul3A_17 : i32
    %add3A_19 = arith.constant 384 : i32
    %add3A_20 = arith.addi %mul3A_18, %add3A_19 : i32
    "tpu.region"() ({
      %run_scoped3A = tpu.sem_alloc : memref<!tpu.dma_semaphore, #tpu.memory_space<semaphore_mem>>
      %dma_start3A_111 = arith.constant 0 : i32
      %dma_start3A_112 = tpu.memref_slice %arg10[%add3A_20, %dma_start3A_111] : memref<10240x128xf32, #tpu.memory_space<vmem_shared>> -> memref<128x128xf32, #tpu.memory_space<vmem_shared>>
      %dma_start3A_113 = arith.constant 0 : i32
      %dma_start3A_114 = tpu.memref_slice %arg10[%add3A_20, %dma_start3A_113] : memref<10240x128xf32, #tpu.memory_space<vmem_shared>> -> memref<128x128xf32, #tpu.memory_space<vmem_shared>>
      tpu.enqueue_dma source(%arg8 : memref<128x128xf32, #tpu.memory_space<vmem>>) target(%dma_start3A_114 : memref<128x128xf32, #tpu.memory_space<vmem_shared>>) target_semaphore(%run_scoped3A : memref<!tpu.dma_semaphore, #tpu.memory_space<semaphore_mem>>)
      %dma_wait3A = arith.constant 0 : i32
      %dma_wait3A_115 = tpu.memref_slice %arg10[%add3A_20, %dma_wait3A] : memref<10240x128xf32, #tpu.memory_space<vmem_shared>> -> memref<128x128xf32, #tpu.memory_space<vmem_shared>>
      %dma_wait3A_116 = arith.constant 0 : i32
      %dma_wait3A_117 = tpu.memref_slice %arg10[%add3A_20, %dma_wait3A_116] : memref<10240x128xf32, #tpu.memory_space<vmem_shared>> -> memref<128x128xf32, #tpu.memory_space<vmem_shared>>
      tpu.wait_dma2 semaphore(%run_scoped3A : memref<!tpu.dma_semaphore, #tpu.memory_space<semaphore_mem>>) src(%arg8 : memref<128x128xf32, #tpu.memory_space<vmem>>) dst(%dma_wait3A_117 : memref<128x128xf32, #tpu.memory_space<vmem_shared>>)
      tpu.yield
    }) : () -> ()
    %mul3A_21 = arith.constant 640 : i32
    %mul3A_22 = arith.muli %arg1, %mul3A_21 : i32
    %add3A_23 = arith.constant 512 : i32
    %add3A_24 = arith.addi %mul3A_22, %add3A_23 : i32
    "tpu.region"() ({
      %run_scoped3A = tpu.sem_alloc : memref<!tpu.dma_semaphore, #tpu.memory_space<semaphore_mem>>
      %dma_start3A_111 = arith.constant 0 : i32
      %dma_start3A_112 = tpu.memref_slice %arg10[%add3A_24, %dma_start3A_111] : memref<10240x128xf32, #tpu.memory_space<vmem_shared>> -> memref<128x128xf32, #tpu.memory_space<vmem_shared>>
      %dma_start3A_113 = arith.constant 0 : i32
      %dma_start3A_114 = tpu.memref_slice %arg10[%add3A_24, %dma_start3A_113] : memref<10240x128xf32, #tpu.memory_space<vmem_shared>> -> memref<128x128xf32, #tpu.memory_space<vmem_shared>>
      tpu.enqueue_dma source(%arg8 : memref<128x128xf32, #tpu.memory_space<vmem>>) target(%dma_start3A_114 : memref<128x128xf32, #tpu.memory_space<vmem_shared>>) target_semaphore(%run_scoped3A : memref<!tpu.dma_semaphore, #tpu.memory_space<semaphore_mem>>)
      %dma_wait3A = arith.constant 0 : i32
      %dma_wait3A_115 = tpu.memref_slice %arg10[%add3A_24, %dma_wait3A] : memref<10240x128xf32, #tpu.memory_space<vmem_shared>> -> memref<128x128xf32, #tpu.memory_space<vmem_shared>>
      %dma_wait3A_116 = arith.constant 0 : i32
      %dma_wait3A_117 = tpu.memref_slice %arg10[%add3A_24, %dma_wait3A_116] : memref<10240x128xf32, #tpu.memory_space<vmem_shared>> -> memref<128x128xf32, #tpu.memory_space<vmem_shared>>
      tpu.wait_dma2 semaphore(%run_scoped3A : memref<!tpu.dma_semaphore, #tpu.memory_space<semaphore_mem>>) src(%arg8 : memref<128x128xf32, #tpu.memory_space<vmem>>) dst(%dma_wait3A_117 : memref<128x128xf32, #tpu.memory_space<vmem_shared>>)
      tpu.yield
    }) : () -> ()
    %barrier3A = arith.constant 0 : index
    tpu.barrier barrier_id(%barrier3A)
    %mul3A_25 = arith.constant 80 : i32
    %mul3A_26 = arith.muli %add3A, %mul3A_25 : i32
    %add3A_27 = arith.constant 0 : i32
    %add3A_28 = arith.addi %mul3A_26, %add3A_27 : i32
    "tpu.region"() ({
      %run_scoped3A = tpu.sem_alloc : memref<!tpu.dma_semaphore, #tpu.memory_space<semaphore_mem>>
      %dma_start3A_111 = arith.constant 0 : i32
      %dma_start3A_112 = tpu.memref_slice %arg3[%add3A_28, %dma_start3A_111] : memref<2560x128xi32, #tpu.memory_space<hbm>> -> memref<40x128xi32, #tpu.memory_space<hbm>>
      %dma_start3A_113 = arith.constant 0 : i32
      %dma_start3A_114 = tpu.memref_slice %arg3[%add3A_28, %dma_start3A_113] : memref<2560x128xi32, #tpu.memory_space<hbm>> -> memref<40x128xi32, #tpu.memory_space<hbm>>
      tpu.enqueue_dma source(%dma_start3A_114 : memref<40x128xi32, #tpu.memory_space<hbm>>) target(%arg6 : memref<40x128xi32, #tpu.memory_space<vmem>>) target_semaphore(%run_scoped3A : memref<!tpu.dma_semaphore, #tpu.memory_space<semaphore_mem>>)
      %dma_wait3A = arith.constant 0 : i32
      %dma_wait3A_115 = tpu.memref_slice %arg3[%add3A_28, %dma_wait3A] : memref<2560x128xi32, #tpu.memory_space<hbm>> -> memref<40x128xi32, #tpu.memory_space<hbm>>
      %dma_wait3A_116 = arith.constant 0 : i32
      %dma_wait3A_117 = tpu.memref_slice %arg3[%add3A_28, %dma_wait3A_116] : memref<2560x128xi32, #tpu.memory_space<hbm>> -> memref<40x128xi32, #tpu.memory_space<hbm>>
      tpu.wait_dma2 semaphore(%run_scoped3A : memref<!tpu.dma_semaphore, #tpu.memory_space<semaphore_mem>>) src(%dma_wait3A_117 : memref<40x128xi32, #tpu.memory_space<hbm>>) dst(%arg6 : memref<40x128xi32, #tpu.memory_space<vmem>>)
      tpu.yield
    }) : () -> ()
    "tpu.region"() ({
      %run_scoped3A = tpu.sem_alloc : memref<!tpu.dma_semaphore, #tpu.memory_space<semaphore_mem>>
      %dma_start3A_111 = arith.constant 0 : i32
      %dma_start3A_112 = tpu.memref_slice %arg4[%add3A_28, %dma_start3A_111] : memref<2560x128xi32, #tpu.memory_space<hbm>> -> memref<40x128xi32, #tpu.memory_space<hbm>>
      %dma_start3A_113 = arith.constant 0 : i32
      %dma_start3A_114 = tpu.memref_slice %arg4[%add3A_28, %dma_start3A_113] : memref<2560x128xi32, #tpu.memory_space<hbm>> -> memref<40x128xi32, #tpu.memory_space<hbm>>
      tpu.enqueue_dma source(%dma_start3A_114 : memref<40x128xi32, #tpu.memory_space<hbm>>) target(%arg7 : memref<40x128xi32, #tpu.memory_space<vmem>>) target_semaphore(%run_scoped3A : memref<!tpu.dma_semaphore, #tpu.memory_space<semaphore_mem>>)
      %dma_wait3A = arith.constant 0 : i32
      %dma_wait3A_115 = tpu.memref_slice %arg4[%add3A_28, %dma_wait3A] : memref<2560x128xi32, #tpu.memory_space<hbm>> -> memref<40x128xi32, #tpu.memory_space<hbm>>
      %dma_wait3A_116 = arith.constant 0 : i32
      %dma_wait3A_117 = tpu.memref_slice %arg4[%add3A_28, %dma_wait3A_116] : memref<2560x128xi32, #tpu.memory_space<hbm>> -> memref<40x128xi32, #tpu.memory_space<hbm>>
      tpu.wait_dma2 semaphore(%run_scoped3A : memref<!tpu.dma_semaphore, #tpu.memory_space<semaphore_mem>>) src(%dma_wait3A_117 : memref<40x128xi32, #tpu.memory_space<hbm>>) dst(%arg7 : memref<40x128xi32, #tpu.memory_space<vmem>>)
      tpu.yield
    }) : () -> ()
    %dma_start3A = arith.constant 0 : i32
    %dma_start3A_29 = arith.constant 0 : i32
    %dma_start3A_30 = tpu.memref_slice %arg6[%dma_start3A, %dma_start3A_29] : memref<40x128xi32, #tpu.memory_space<vmem>> -> memref<1x128xi32, #tpu.memory_space<vmem>>
    %dma_start3A_31 = tpu.memref_squeeze %dma_start3A_30 : memref<1x128xi32, #tpu.memory_space<vmem>> -> memref<128xi32, #tpu.memory_space<vmem>>
    %dma_start3A_32 = arith.constant 0 : i32
    %dma_start3A_33 = arith.constant 0 : i32
    %dma_start3A_34 = tpu.memref_slice %arg2[%dma_start3A_32, %dma_start3A_33] : memref<10000x128xf32, #tpu.memory_space<hbm>> -> memref<10000x128xf32, #tpu.memory_space<hbm>>
    tpu.enqueue_indirect_dma source(%dma_start3A_34 : memref<10000x128xf32, #tpu.memory_space<hbm>>) target(%arg8 : memref<128x128xf32, #tpu.memory_space<vmem>>) offsets(%dma_start3A_31 : memref<128xi32, #tpu.memory_space<vmem>>) semaphore(%arg11 : memref<!tpu.dma_semaphore, #tpu.memory_space<semaphore_mem>>)
    %dma_start3A_35 = arith.constant 1 : i32
    %dma_start3A_36 = arith.constant 0 : i32
    %dma_start3A_37 = tpu.memref_slice %arg6[%dma_start3A_35, %dma_start3A_36] : memref<40x128xi32, #tpu.memory_space<vmem>> -> memref<1x128xi32, #tpu.memory_space<vmem>>
    %dma_start3A_38 = tpu.memref_squeeze %dma_start3A_37 : memref<1x128xi32, #tpu.memory_space<vmem>> -> memref<128xi32, #tpu.memory_space<vmem>>
    %dma_start3A_39 = arith.constant 0 : i32
    %dma_start3A_40 = arith.constant 0 : i32
    %dma_start3A_41 = tpu.memref_slice %arg2[%dma_start3A_39, %dma_start3A_40] : memref<10000x128xf32, #tpu.memory_space<hbm>> -> memref<10000x128xf32, #tpu.memory_space<hbm>>
    tpu.enqueue_indirect_dma source(%dma_start3A_41 : memref<10000x128xf32, #tpu.memory_space<hbm>>) target(%arg9 : memref<128x128xf32, #tpu.memory_space<vmem>>) offsets(%dma_start3A_38 : memref<128xi32, #tpu.memory_space<vmem>>) semaphore(%arg12 : memref<!tpu.dma_semaphore, #tpu.memory_space<semaphore_mem>>)
    %scan3A_42 = arith.constant 0 : i32
    %scan3A_43 = arith.constant 20 : i32
    %scan3A_44 = arith.addi %scan3A_42, %scan3A_43 : i32
    %scan3A_45 = arith.constant 1 : i32
    scf.for %scan3A_111 = %scan3A_42 to %scan3A_44 step %scan3A_45  : i32 {
      %mul3A_112 = arith.constant 2 : i32
      %mul3A_113 = arith.muli %scan3A_111, %mul3A_112 : i32
      %add3A_114 = arith.constant 0 : i32
      %add3A_115 = arith.addi %add3A_114, %mul3A_113 : i32
      %dma_wait3A = arith.constant 0 : i32
      %dma_wait3A_116 = arith.constant 0 : i32
      %dma_wait3A_117 = tpu.memref_slice %arg2[%dma_wait3A, %dma_wait3A_116] : memref<10000x128xf32, #tpu.memory_space<hbm>> -> memref<128x128xf32, #tpu.memory_space<hbm>>
      %dma_wait3A_118 = arith.constant 0 : i32
      %dma_wait3A_119 = arith.constant 0 : i32
      %dma_wait3A_120 = tpu.memref_slice %arg2[%dma_wait3A_118, %dma_wait3A_119] : memref<10000x128xf32, #tpu.memory_space<hbm>> -> memref<128x128xf32, #tpu.memory_space<hbm>>
      tpu.wait_dma2 semaphore(%arg11 : memref<!tpu.dma_semaphore, #tpu.memory_space<semaphore_mem>>) src(%dma_wait3A_120 : memref<128x128xf32, #tpu.memory_space<hbm>>) dst(%arg8 : memref<128x128xf32, #tpu.memory_space<vmem>>)
      "tpu.region"() ({
        %run_scoped3A = tpu.sem_alloc : memref<!tpu.dma_semaphore, #tpu.memory_space<semaphore_mem>>
        %dma_start3A_140 = arith.constant 0 : i32
        %dma_start3A_141 = tpu.memref_slice %arg7[%add3A_115, %dma_start3A_140] : memref<40x128xi32, #tpu.memory_space<vmem>> -> memref<1x128xi32, #tpu.memory_space<vmem>>
        %dma_start3A_142 = tpu.memref_squeeze %dma_start3A_141 : memref<1x128xi32, #tpu.memory_space<vmem>> -> memref<128xi32, #tpu.memory_space<vmem>>
        %dma_start3A_143 = arith.constant 0 : i32
        %dma_start3A_144 = arith.constant 0 : i32
        %dma_start3A_145 = tpu.memref_slice %arg10[%dma_start3A_143, %dma_start3A_144] : memref<10240x128xf32, #tpu.memory_space<vmem_shared>> -> memref<10240x128xf32, #tpu.memory_space<vmem_shared>>
        tpu.enqueue_indirect_dma source(%arg8 : memref<128x128xf32, #tpu.memory_space<vmem>>) target(%dma_start3A_145 : memref<10240x128xf32, #tpu.memory_space<vmem_shared>>) offsets(%dma_start3A_142 : memref<128xi32, #tpu.memory_space<vmem>>) semaphore(%run_scoped3A : memref<!tpu.dma_semaphore, #tpu.memory_space<semaphore_mem>>) {add = true}
        %dma_wait3A_146 = arith.constant 0 : i32
        %dma_wait3A_147 = tpu.memref_slice %arg7[%add3A_115, %dma_wait3A_146] : memref<40x128xi32, #tpu.memory_space<vmem>> -> memref<1x128xi32, #tpu.memory_space<vmem>>
        %dma_wait3A_148 = tpu.memref_squeeze %dma_wait3A_147 : memref<1x128xi32, #tpu.memory_space<vmem>> -> memref<128xi32, #tpu.memory_space<vmem>>
        %dma_wait3A_149 = arith.constant 0 : i32
        %dma_wait3A_150 = arith.constant 0 : i32
        %dma_wait3A_151 = tpu.memref_slice %arg10[%dma_wait3A_149, %dma_wait3A_150] : memref<10240x128xf32, #tpu.memory_space<vmem_shared>> -> memref<10240x128xf32, #tpu.memory_space<vmem_shared>>
        tpu.wait_indirect_dma semaphore(%run_scoped3A : memref<!tpu.dma_semaphore, #tpu.memory_space<semaphore_mem>>) src(%arg8 : memref<128x128xf32, #tpu.memory_space<vmem>>) dst(%dma_wait3A_151 : memref<10240x128xf32, #tpu.memory_space<vmem_shared>>)
        tpu.yield
      }) : () -> ()
      %add3A_121 = arith.constant 2 : i32
      %add3A_122 = arith.addi %add3A_115, %add3A_121 : i32
      %lt3A = arith.constant 40 : i32
      %lt3A_123 = arith.cmpi slt, %add3A_122, %lt3A : i32
      %convert_element_type3A = arith.extui %lt3A_123 : i1 to i32
      %cond3A = arith.constant 0 : i32
      %cond3A_124 = arith.cmpi ne, %convert_element_type3A, %cond3A : i32
      scf.if %cond3A_124 {
        %add3A_140 = arith.constant 2 : i32
        %add3A_141 = arith.addi %add3A_115, %add3A_140 : i32
        %dma_start3A_142 = arith.constant 0 : i32
        %dma_start3A_143 = tpu.memref_slice %arg6[%add3A_141, %dma_start3A_142] : memref<40x128xi32, #tpu.memory_space<vmem>> -> memref<1x128xi32, #tpu.memory_space<vmem>>
        %dma_start3A_144 = tpu.memref_squeeze %dma_start3A_143 : memref<1x128xi32, #tpu.memory_space<vmem>> -> memref<128xi32, #tpu.memory_space<vmem>>
        %dma_start3A_145 = arith.constant 0 : i32
        %dma_start3A_146 = arith.constant 0 : i32
        %dma_start3A_147 = tpu.memref_slice %arg2[%dma_start3A_145, %dma_start3A_146] : memref<10000x128xf32, #tpu.memory_space<hbm>> -> memref<10000x128xf32, #tpu.memory_space<hbm>>
        tpu.enqueue_indirect_dma source(%dma_start3A_147 : memref<10000x128xf32, #tpu.memory_space<hbm>>) target(%arg8 : memref<128x128xf32, #tpu.memory_space<vmem>>) offsets(%dma_start3A_144 : memref<128xi32, #tpu.memory_space<vmem>>) semaphore(%arg11 : memref<!tpu.dma_semaphore, #tpu.memory_space<semaphore_mem>>)
      } else {
      }
      %dma_wait3A_125 = arith.constant 0 : i32
      %dma_wait3A_126 = arith.constant 0 : i32
      %dma_wait3A_127 = tpu.memref_slice %arg2[%dma_wait3A_125, %dma_wait3A_126] : memref<10000x128xf32, #tpu.memory_space<hbm>> -> memref<128x128xf32, #tpu.memory_space<hbm>>
      %dma_wait3A_128 = arith.constant 0 : i32
      %dma_wait3A_129 = arith.constant 0 : i32
      %dma_wait3A_130 = tpu.memref_slice %arg2[%dma_wait3A_128, %dma_wait3A_129] : memref<10000x128xf32, #tpu.memory_space<hbm>> -> memref<128x128xf32, #tpu.memory_space<hbm>>
      tpu.wait_dma2 semaphore(%arg12 : memref<!tpu.dma_semaphore, #tpu.memory_space<semaphore_mem>>) src(%dma_wait3A_130 : memref<128x128xf32, #tpu.memory_space<hbm>>) dst(%arg9 : memref<128x128xf32, #tpu.memory_space<vmem>>)
      %add3A_131 = arith.constant 1 : i32
      %add3A_132 = arith.addi %add3A_115, %add3A_131 : i32
      "tpu.region"() ({
        %run_scoped3A = tpu.sem_alloc : memref<!tpu.dma_semaphore, #tpu.memory_space<semaphore_mem>>
        %dma_start3A_140 = arith.constant 0 : i32
        %dma_start3A_141 = tpu.memref_slice %arg7[%add3A_132, %dma_start3A_140] : memref<40x128xi32, #tpu.memory_space<vmem>> -> memref<1x128xi32, #tpu.memory_space<vmem>>
        %dma_start3A_142 = tpu.memref_squeeze %dma_start3A_141 : memref<1x128xi32, #tpu.memory_space<vmem>> -> memref<128xi32, #tpu.memory_space<vmem>>
        %dma_start3A_143 = arith.constant 0 : i32
        %dma_start3A_144 = arith.constant 0 : i32
        %dma_start3A_145 = tpu.memref_slice %arg10[%dma_start3A_143, %dma_start3A_144] : memref<10240x128xf32, #tpu.memory_space<vmem_shared>> -> memref<10240x128xf32, #tpu.memory_space<vmem_shared>>
        tpu.enqueue_indirect_dma source(%arg9 : memref<128x128xf32, #tpu.memory_space<vmem>>) target(%dma_start3A_145 : memref<10240x128xf32, #tpu.memory_space<vmem_shared>>) offsets(%dma_start3A_142 : memref<128xi32, #tpu.memory_space<vmem>>) semaphore(%run_scoped3A : memref<!tpu.dma_semaphore, #tpu.memory_space<semaphore_mem>>) {add = true}
        %dma_wait3A_146 = arith.constant 0 : i32
        %dma_wait3A_147 = tpu.memref_slice %arg7[%add3A_132, %dma_wait3A_146] : memref<40x128xi32, #tpu.memory_space<vmem>> -> memref<1x128xi32, #tpu.memory_space<vmem>>
        %dma_wait3A_148 = tpu.memref_squeeze %dma_wait3A_147 : memref<1x128xi32, #tpu.memory_space<vmem>> -> memref<128xi32, #tpu.memory_space<vmem>>
        %dma_wait3A_149 = arith.constant 0 : i32
        %dma_wait3A_150 = arith.constant 0 : i32
        %dma_wait3A_151 = tpu.memref_slice %arg10[%dma_wait3A_149, %dma_wait3A_150] : memref<10240x128xf32, #tpu.memory_space<vmem_shared>> -> memref<10240x128xf32, #tpu.memory_space<vmem_shared>>
        tpu.wait_indirect_dma semaphore(%run_scoped3A : memref<!tpu.dma_semaphore, #tpu.memory_space<semaphore_mem>>) src(%arg9 : memref<128x128xf32, #tpu.memory_space<vmem>>) dst(%dma_wait3A_151 : memref<10240x128xf32, #tpu.memory_space<vmem_shared>>)
        tpu.yield
      }) : () -> ()
      %add3A_133 = arith.constant 3 : i32
      %add3A_134 = arith.addi %add3A_115, %add3A_133 : i32
      %lt3A_135 = arith.constant 40 : i32
      %lt3A_136 = arith.cmpi slt, %add3A_134, %lt3A_135 : i32
      %convert_element_type3A_137 = arith.extui %lt3A_136 : i1 to i32
      %cond3A_138 = arith.constant 0 : i32
      %cond3A_139 = arith.cmpi ne, %convert_element_type3A_137, %cond3A_138 : i32
      scf.if %cond3A_139 {
        %add3A_140 = arith.constant 3 : i32
        %add3A_141 = arith.addi %add3A_115, %add3A_140 : i32
        %dma_start3A_142 = arith.constant 0 : i32
        %dma_start3A_143 = tpu.memref_slice %arg6[%add3A_141, %dma_start3A_142] : memref<40x128xi32, #tpu.memory_space<vmem>> -> memref<1x128xi32, #tpu.memory_space<vmem>>
        %dma_start3A_144 = tpu.memref_squeeze %dma_start3A_143 : memref<1x128xi32, #tpu.memory_space<vmem>> -> memref<128xi32, #tpu.memory_space<vmem>>
        %dma_start3A_145 = arith.constant 0 : i32
        %dma_start3A_146 = arith.constant 0 : i32
        %dma_start3A_147 = tpu.memref_slice %arg2[%dma_start3A_145, %dma_start3A_146] : memref<10000x128xf32, #tpu.memory_space<hbm>> -> memref<10000x128xf32, #tpu.memory_space<hbm>>
        tpu.enqueue_indirect_dma source(%dma_start3A_147 : memref<10000x128xf32, #tpu.memory_space<hbm>>) target(%arg9 : memref<128x128xf32, #tpu.memory_space<vmem>>) offsets(%dma_start3A_144 : memref<128xi32, #tpu.memory_space<vmem>>) semaphore(%arg12 : memref<!tpu.dma_semaphore, #tpu.memory_space<semaphore_mem>>)
      } else {
      }
    }
    %scan3A_46 = arith.constant 20 : i32
    %mul3A_47 = arith.constant 80 : i32
    %mul3A_48 = arith.muli %add3A, %mul3A_47 : i32
    %add3A_49 = arith.constant 40 : i32
    %add3A_50 = arith.addi %mul3A_48, %add3A_49 : i32
    "tpu.region"() ({
      %run_scoped3A = tpu.sem_alloc : memref<!tpu.dma_semaphore, #tpu.memory_space<semaphore_mem>>
      %dma_start3A_111 = arith.constant 0 : i32
      %dma_start3A_112 = tpu.memref_slice %arg3[%add3A_50, %dma_start3A_111] : memref<2560x128xi32, #tpu.memory_space<hbm>> -> memref<40x128xi32, #tpu.memory_space<hbm>>
      %dma_start3A_113 = arith.constant 0 : i32
      %dma_start3A_114 = tpu.memref_slice %arg3[%add3A_50, %dma_start3A_113] : memref<2560x128xi32, #tpu.memory_space<hbm>> -> memref<40x128xi32, #tpu.memory_space<hbm>>
      tpu.enqueue_dma source(%dma_start3A_114 : memref<40x128xi32, #tpu.memory_space<hbm>>) target(%arg6 : memref<40x128xi32, #tpu.memory_space<vmem>>) target_semaphore(%run_scoped3A : memref<!tpu.dma_semaphore, #tpu.memory_space<semaphore_mem>>)
      %dma_wait3A = arith.constant 0 : i32
      %dma_wait3A_115 = tpu.memref_slice %arg3[%add3A_50, %dma_wait3A] : memref<2560x128xi32, #tpu.memory_space<hbm>> -> memref<40x128xi32, #tpu.memory_space<hbm>>
      %dma_wait3A_116 = arith.constant 0 : i32
      %dma_wait3A_117 = tpu.memref_slice %arg3[%add3A_50, %dma_wait3A_116] : memref<2560x128xi32, #tpu.memory_space<hbm>> -> memref<40x128xi32, #tpu.memory_space<hbm>>
      tpu.wait_dma2 semaphore(%run_scoped3A : memref<!tpu.dma_semaphore, #tpu.memory_space<semaphore_mem>>) src(%dma_wait3A_117 : memref<40x128xi32, #tpu.memory_space<hbm>>) dst(%arg6 : memref<40x128xi32, #tpu.memory_space<vmem>>)
      tpu.yield
    }) : () -> ()
    "tpu.region"() ({
      %run_scoped3A = tpu.sem_alloc : memref<!tpu.dma_semaphore, #tpu.memory_space<semaphore_mem>>
      %dma_start3A_111 = arith.constant 0 : i32
      %dma_start3A_112 = tpu.memref_slice %arg4[%add3A_50, %dma_start3A_111] : memref<2560x128xi32, #tpu.memory_space<hbm>> -> memref<40x128xi32, #tpu.memory_space<hbm>>
      %dma_start3A_113 = arith.constant 0 : i32
      %dma_start3A_114 = tpu.memref_slice %arg4[%add3A_50, %dma_start3A_113] : memref<2560x128xi32, #tpu.memory_space<hbm>> -> memref<40x128xi32, #tpu.memory_space<hbm>>
      tpu.enqueue_dma source(%dma_start3A_114 : memref<40x128xi32, #tpu.memory_space<hbm>>) target(%arg7 : memref<40x128xi32, #tpu.memory_space<vmem>>) target_semaphore(%run_scoped3A : memref<!tpu.dma_semaphore, #tpu.memory_space<semaphore_mem>>)
      %dma_wait3A = arith.constant 0 : i32
      %dma_wait3A_115 = tpu.memref_slice %arg4[%add3A_50, %dma_wait3A] : memref<2560x128xi32, #tpu.memory_space<hbm>> -> memref<40x128xi32, #tpu.memory_space<hbm>>
      %dma_wait3A_116 = arith.constant 0 : i32
      %dma_wait3A_117 = tpu.memref_slice %arg4[%add3A_50, %dma_wait3A_116] : memref<2560x128xi32, #tpu.memory_space<hbm>> -> memref<40x128xi32, #tpu.memory_space<hbm>>
      tpu.wait_dma2 semaphore(%run_scoped3A : memref<!tpu.dma_semaphore, #tpu.memory_space<semaphore_mem>>) src(%dma_wait3A_117 : memref<40x128xi32, #tpu.memory_space<hbm>>) dst(%arg7 : memref<40x128xi32, #tpu.memory_space<vmem>>)
      tpu.yield
    }) : () -> ()
    %dma_start3A_51 = arith.constant 0 : i32
    %dma_start3A_52 = arith.constant 0 : i32
    %dma_start3A_53 = tpu.memref_slice %arg6[%dma_start3A_51, %dma_start3A_52] : memref<40x128xi32, #tpu.memory_space<vmem>> -> memref<1x128xi32, #tpu.memory_space<vmem>>
    %dma_start3A_54 = tpu.memref_squeeze %dma_start3A_53 : memref<1x128xi32, #tpu.memory_space<vmem>> -> memref<128xi32, #tpu.memory_space<vmem>>
    %dma_start3A_55 = arith.constant 0 : i32
    %dma_start3A_56 = arith.constant 0 : i32
    %dma_start3A_57 = tpu.memref_slice %arg2[%dma_start3A_55, %dma_start3A_56] : memref<10000x128xf32, #tpu.memory_space<hbm>> -> memref<10000x128xf32, #tpu.memory_space<hbm>>
    tpu.enqueue_indirect_dma source(%dma_start3A_57 : memref<10000x128xf32, #tpu.memory_space<hbm>>) target(%arg8 : memref<128x128xf32, #tpu.memory_space<vmem>>) offsets(%dma_start3A_54 : memref<128xi32, #tpu.memory_space<vmem>>) semaphore(%arg11 : memref<!tpu.dma_semaphore, #tpu.memory_space<semaphore_mem>>)
    %dma_start3A_58 = arith.constant 1 : i32
    %dma_start3A_59 = arith.constant 0 : i32
    %dma_start3A_60 = tpu.memref_slice %arg6[%dma_start3A_58, %dma_start3A_59] : memref<40x128xi32, #tpu.memory_space<vmem>> -> memref<1x128xi32, #tpu.memory_space<vmem>>
    %dma_start3A_61 = tpu.memref_squeeze %dma_start3A_60 : memref<1x128xi32, #tpu.memory_space<vmem>> -> memref<128xi32, #tpu.memory_space<vmem>>
    %dma_start3A_62 = arith.constant 0 : i32
    %dma_start3A_63 = arith.constant 0 : i32
    %dma_start3A_64 = tpu.memref_slice %arg2[%dma_start3A_62, %dma_start3A_63] : memref<10000x128xf32, #tpu.memory_space<hbm>> -> memref<10000x128xf32, #tpu.memory_space<hbm>>
    tpu.enqueue_indirect_dma source(%dma_start3A_64 : memref<10000x128xf32, #tpu.memory_space<hbm>>) target(%arg9 : memref<128x128xf32, #tpu.memory_space<vmem>>) offsets(%dma_start3A_61 : memref<128xi32, #tpu.memory_space<vmem>>) semaphore(%arg12 : memref<!tpu.dma_semaphore, #tpu.memory_space<semaphore_mem>>)
    %scan3A_65 = arith.constant 0 : i32
    %scan3A_66 = arith.constant 20 : i32
    %scan3A_67 = arith.addi %scan3A_65, %scan3A_66 : i32
    %scan3A_68 = arith.constant 1 : i32
    scf.for %scan3A_111 = %scan3A_65 to %scan3A_67 step %scan3A_68  : i32 {
      %mul3A_112 = arith.constant 2 : i32
      %mul3A_113 = arith.muli %scan3A_111, %mul3A_112 : i32
      %add3A_114 = arith.constant 0 : i32
      %add3A_115 = arith.addi %add3A_114, %mul3A_113 : i32
      %dma_wait3A = arith.constant 0 : i32
      %dma_wait3A_116 = arith.constant 0 : i32
      %dma_wait3A_117 = tpu.memref_slice %arg2[%dma_wait3A, %dma_wait3A_116] : memref<10000x128xf32, #tpu.memory_space<hbm>> -> memref<128x128xf32, #tpu.memory_space<hbm>>
      %dma_wait3A_118 = arith.constant 0 : i32
      %dma_wait3A_119 = arith.constant 0 : i32
      %dma_wait3A_120 = tpu.memref_slice %arg2[%dma_wait3A_118, %dma_wait3A_119] : memref<10000x128xf32, #tpu.memory_space<hbm>> -> memref<128x128xf32, #tpu.memory_space<hbm>>
      tpu.wait_dma2 semaphore(%arg11 : memref<!tpu.dma_semaphore, #tpu.memory_space<semaphore_mem>>) src(%dma_wait3A_120 : memref<128x128xf32, #tpu.memory_space<hbm>>) dst(%arg8 : memref<128x128xf32, #tpu.memory_space<vmem>>)
      "tpu.region"() ({
        %run_scoped3A = tpu.sem_alloc : memref<!tpu.dma_semaphore, #tpu.memory_space<semaphore_mem>>
        %dma_start3A_140 = arith.constant 0 : i32
        %dma_start3A_141 = tpu.memref_slice %arg7[%add3A_115, %dma_start3A_140] : memref<40x128xi32, #tpu.memory_space<vmem>> -> memref<1x128xi32, #tpu.memory_space<vmem>>
        %dma_start3A_142 = tpu.memref_squeeze %dma_start3A_141 : memref<1x128xi32, #tpu.memory_space<vmem>> -> memref<128xi32, #tpu.memory_space<vmem>>
        %dma_start3A_143 = arith.constant 0 : i32
        %dma_start3A_144 = arith.constant 0 : i32
        %dma_start3A_145 = tpu.memref_slice %arg10[%dma_start3A_143, %dma_start3A_144] : memref<10240x128xf32, #tpu.memory_space<vmem_shared>> -> memref<10240x128xf32, #tpu.memory_space<vmem_shared>>
        tpu.enqueue_indirect_dma source(%arg8 : memref<128x128xf32, #tpu.memory_space<vmem>>) target(%dma_start3A_145 : memref<10240x128xf32, #tpu.memory_space<vmem_shared>>) offsets(%dma_start3A_142 : memref<128xi32, #tpu.memory_space<vmem>>) semaphore(%run_scoped3A : memref<!tpu.dma_semaphore, #tpu.memory_space<semaphore_mem>>) {add = true}
        %dma_wait3A_146 = arith.constant 0 : i32
        %dma_wait3A_147 = tpu.memref_slice %arg7[%add3A_115, %dma_wait3A_146] : memref<40x128xi32, #tpu.memory_space<vmem>> -> memref<1x128xi32, #tpu.memory_space<vmem>>
        %dma_wait3A_148 = tpu.memref_squeeze %dma_wait3A_147 : memref<1x128xi32, #tpu.memory_space<vmem>> -> memref<128xi32, #tpu.memory_space<vmem>>
        %dma_wait3A_149 = arith.constant 0 : i32
        %dma_wait3A_150 = arith.constant 0 : i32
        %dma_wait3A_151 = tpu.memref_slice %arg10[%dma_wait3A_149, %dma_wait3A_150] : memref<10240x128xf32, #tpu.memory_space<vmem_shared>> -> memref<10240x128xf32, #tpu.memory_space<vmem_shared>>
        tpu.wait_indirect_dma semaphore(%run_scoped3A : memref<!tpu.dma_semaphore, #tpu.memory_space<semaphore_mem>>) src(%arg8 : memref<128x128xf32, #tpu.memory_space<vmem>>) dst(%dma_wait3A_151 : memref<10240x128xf32, #tpu.memory_space<vmem_shared>>)
        tpu.yield
      }) : () -> ()
      %add3A_121 = arith.constant 2 : i32
      %add3A_122 = arith.addi %add3A_115, %add3A_121 : i32
      %lt3A = arith.constant 40 : i32
      %lt3A_123 = arith.cmpi slt, %add3A_122, %lt3A : i32
      %convert_element_type3A = arith.extui %lt3A_123 : i1 to i32
      %cond3A = arith.constant 0 : i32
      %cond3A_124 = arith.cmpi ne, %convert_element_type3A, %cond3A : i32
      scf.if %cond3A_124 {
        %add3A_140 = arith.constant 2 : i32
        %add3A_141 = arith.addi %add3A_115, %add3A_140 : i32
        %dma_start3A_142 = arith.constant 0 : i32
        %dma_start3A_143 = tpu.memref_slice %arg6[%add3A_141, %dma_start3A_142] : memref<40x128xi32, #tpu.memory_space<vmem>> -> memref<1x128xi32, #tpu.memory_space<vmem>>
        %dma_start3A_144 = tpu.memref_squeeze %dma_start3A_143 : memref<1x128xi32, #tpu.memory_space<vmem>> -> memref<128xi32, #tpu.memory_space<vmem>>
        %dma_start3A_145 = arith.constant 0 : i32
        %dma_start3A_146 = arith.constant 0 : i32
        %dma_start3A_147 = tpu.memref_slice %arg2[%dma_start3A_145, %dma_start3A_146] : memref<10000x128xf32, #tpu.memory_space<hbm>> -> memref<10000x128xf32, #tpu.memory_space<hbm>>
        tpu.enqueue_indirect_dma source(%dma_start3A_147 : memref<10000x128xf32, #tpu.memory_space<hbm>>) target(%arg8 : memref<128x128xf32, #tpu.memory_space<vmem>>) offsets(%dma_start3A_144 : memref<128xi32, #tpu.memory_space<vmem>>) semaphore(%arg11 : memref<!tpu.dma_semaphore, #tpu.memory_space<semaphore_mem>>)
      } else {
      }
      %dma_wait3A_125 = arith.constant 0 : i32
      %dma_wait3A_126 = arith.constant 0 : i32
      %dma_wait3A_127 = tpu.memref_slice %arg2[%dma_wait3A_125, %dma_wait3A_126] : memref<10000x128xf32, #tpu.memory_space<hbm>> -> memref<128x128xf32, #tpu.memory_space<hbm>>
      %dma_wait3A_128 = arith.constant 0 : i32
      %dma_wait3A_129 = arith.constant 0 : i32
      %dma_wait3A_130 = tpu.memref_slice %arg2[%dma_wait3A_128, %dma_wait3A_129] : memref<10000x128xf32, #tpu.memory_space<hbm>> -> memref<128x128xf32, #tpu.memory_space<hbm>>
      tpu.wait_dma2 semaphore(%arg12 : memref<!tpu.dma_semaphore, #tpu.memory_space<semaphore_mem>>) src(%dma_wait3A_130 : memref<128x128xf32, #tpu.memory_space<hbm>>) dst(%arg9 : memref<128x128xf32, #tpu.memory_space<vmem>>)
      %add3A_131 = arith.constant 1 : i32
      %add3A_132 = arith.addi %add3A_115, %add3A_131 : i32
      "tpu.region"() ({
        %run_scoped3A = tpu.sem_alloc : memref<!tpu.dma_semaphore, #tpu.memory_space<semaphore_mem>>
        %dma_start3A_140 = arith.constant 0 : i32
        %dma_start3A_141 = tpu.memref_slice %arg7[%add3A_132, %dma_start3A_140] : memref<40x128xi32, #tpu.memory_space<vmem>> -> memref<1x128xi32, #tpu.memory_space<vmem>>
        %dma_start3A_142 = tpu.memref_squeeze %dma_start3A_141 : memref<1x128xi32, #tpu.memory_space<vmem>> -> memref<128xi32, #tpu.memory_space<vmem>>
        %dma_start3A_143 = arith.constant 0 : i32
        %dma_start3A_144 = arith.constant 0 : i32
        %dma_start3A_145 = tpu.memref_slice %arg10[%dma_start3A_143, %dma_start3A_144] : memref<10240x128xf32, #tpu.memory_space<vmem_shared>> -> memref<10240x128xf32, #tpu.memory_space<vmem_shared>>
        tpu.enqueue_indirect_dma source(%arg9 : memref<128x128xf32, #tpu.memory_space<vmem>>) target(%dma_start3A_145 : memref<10240x128xf32, #tpu.memory_space<vmem_shared>>) offsets(%dma_start3A_142 : memref<128xi32, #tpu.memory_space<vmem>>) semaphore(%run_scoped3A : memref<!tpu.dma_semaphore, #tpu.memory_space<semaphore_mem>>) {add = true}
        %dma_wait3A_146 = arith.constant 0 : i32
        %dma_wait3A_147 = tpu.memref_slice %arg7[%add3A_132, %dma_wait3A_146] : memref<40x128xi32, #tpu.memory_space<vmem>> -> memref<1x128xi32, #tpu.memory_space<vmem>>
        %dma_wait3A_148 = tpu.memref_squeeze %dma_wait3A_147 : memref<1x128xi32, #tpu.memory_space<vmem>> -> memref<128xi32, #tpu.memory_space<vmem>>
        %dma_wait3A_149 = arith.constant 0 : i32
        %dma_wait3A_150 = arith.constant 0 : i32
        %dma_wait3A_151 = tpu.memref_slice %arg10[%dma_wait3A_149, %dma_wait3A_150] : memref<10240x128xf32, #tpu.memory_space<vmem_shared>> -> memref<10240x128xf32, #tpu.memory_space<vmem_shared>>
        tpu.wait_indirect_dma semaphore(%run_scoped3A : memref<!tpu.dma_semaphore, #tpu.memory_space<semaphore_mem>>) src(%arg9 : memref<128x128xf32, #tpu.memory_space<vmem>>) dst(%dma_wait3A_151 : memref<10240x128xf32, #tpu.memory_space<vmem_shared>>)
        tpu.yield
      }) : () -> ()
      %add3A_133 = arith.constant 3 : i32
      %add3A_134 = arith.addi %add3A_115, %add3A_133 : i32
      %lt3A_135 = arith.constant 40 : i32
      %lt3A_136 = arith.cmpi slt, %add3A_134, %lt3A_135 : i32
      %convert_element_type3A_137 = arith.extui %lt3A_136 : i1 to i32
      %cond3A_138 = arith.constant 0 : i32
      %cond3A_139 = arith.cmpi ne, %convert_element_type3A_137, %cond3A_138 : i32
      scf.if %cond3A_139 {
        %add3A_140 = arith.constant 3 : i32
        %add3A_141 = arith.addi %add3A_115, %add3A_140 : i32
        %dma_start3A_142 = arith.constant 0 : i32
        %dma_start3A_143 = tpu.memref_slice %arg6[%add3A_141, %dma_start3A_142] : memref<40x128xi32, #tpu.memory_space<vmem>> -> memref<1x128xi32, #tpu.memory_space<vmem>>
        %dma_start3A_144 = tpu.memref_squeeze %dma_start3A_143 : memref<1x128xi32, #tpu.memory_space<vmem>> -> memref<128xi32, #tpu.memory_space<vmem>>
        %dma_start3A_145 = arith.constant 0 : i32
        %dma_start3A_146 = arith.constant 0 : i32
        %dma_start3A_147 = tpu.memref_slice %arg2[%dma_start3A_145, %dma_start3A_146] : memref<10000x128xf32, #tpu.memory_space<hbm>> -> memref<10000x128xf32, #tpu.memory_space<hbm>>
        tpu.enqueue_indirect_dma source(%dma_start3A_147 : memref<10000x128xf32, #tpu.memory_space<hbm>>) target(%arg9 : memref<128x128xf32, #tpu.memory_space<vmem>>) offsets(%dma_start3A_144 : memref<128xi32, #tpu.memory_space<vmem>>) semaphore(%arg12 : memref<!tpu.dma_semaphore, #tpu.memory_space<semaphore_mem>>)
      } else {
      }
    }
    %scan3A_69 = arith.constant 20 : i32
    %barrier3A_70 = arith.constant 0 : index
    tpu.barrier barrier_id(%barrier3A_70)
    %mul3A_71 = arith.constant 640 : i32
    %mul3A_72 = arith.muli %arg1, %mul3A_71 : i32
    %add3A_73 = arith.constant 0 : i32
    %add3A_74 = arith.addi %mul3A_72, %add3A_73 : i32
    "tpu.region"() ({
      %run_scoped3A = tpu.sem_alloc : memref<!tpu.dma_semaphore, #tpu.memory_space<semaphore_mem>>
      %dma_start3A_111 = arith.constant 0 : i32
      %dma_start3A_112 = tpu.memref_slice %arg10[%add3A_74, %dma_start3A_111] : memref<10240x128xf32, #tpu.memory_space<vmem_shared>> -> memref<128x128xf32, #tpu.memory_space<vmem_shared>>
      %dma_start3A_113 = arith.constant 0 : i32
      %dma_start3A_114 = tpu.memref_slice %arg10[%add3A_74, %dma_start3A_113] : memref<10240x128xf32, #tpu.memory_space<vmem_shared>> -> memref<128x128xf32, #tpu.memory_space<vmem_shared>>
      tpu.enqueue_dma source(%dma_start3A_114 : memref<128x128xf32, #tpu.memory_space<vmem_shared>>) target(%arg8 : memref<128x128xf32, #tpu.memory_space<vmem>>) target_semaphore(%run_scoped3A : memref<!tpu.dma_semaphore, #tpu.memory_space<semaphore_mem>>)
      %dma_wait3A = arith.constant 0 : i32
      %dma_wait3A_115 = tpu.memref_slice %arg10[%add3A_74, %dma_wait3A] : memref<10240x128xf32, #tpu.memory_space<vmem_shared>> -> memref<128x128xf32, #tpu.memory_space<vmem_shared>>
      %dma_wait3A_116 = arith.constant 0 : i32
      %dma_wait3A_117 = tpu.memref_slice %arg10[%add3A_74, %dma_wait3A_116] : memref<10240x128xf32, #tpu.memory_space<vmem_shared>> -> memref<128x128xf32, #tpu.memory_space<vmem_shared>>
      tpu.wait_dma2 semaphore(%run_scoped3A : memref<!tpu.dma_semaphore, #tpu.memory_space<semaphore_mem>>) src(%dma_wait3A_117 : memref<128x128xf32, #tpu.memory_space<vmem_shared>>) dst(%arg8 : memref<128x128xf32, #tpu.memory_space<vmem>>)
      tpu.yield
    }) : () -> ()
    %mul3A_75 = arith.constant 640 : i32
    %mul3A_76 = arith.muli %arg1, %mul3A_75 : i32
    %add3A_77 = arith.constant 0 : i32
    %add3A_78 = arith.addi %mul3A_76, %add3A_77 : i32
    "tpu.region"() ({
      %run_scoped3A = tpu.sem_alloc : memref<!tpu.dma_semaphore, #tpu.memory_space<semaphore_mem>>
      %dma_start3A_111 = arith.constant 0 : i32
      %dma_start3A_112 = tpu.memref_slice %arg5[%arg0, %add3A_78, %dma_start3A_111] : memref<2x10240x128xf32, #tpu.memory_space<hbm>> -> memref<1x128x128xf32, #tpu.memory_space<hbm>>
      %dma_start3A_113 = tpu.memref_squeeze %dma_start3A_112 : memref<1x128x128xf32, #tpu.memory_space<hbm>> -> memref<128x128xf32, #tpu.memory_space<hbm>>
      %dma_start3A_114 = arith.constant 0 : i32
      %dma_start3A_115 = tpu.memref_slice %arg5[%arg0, %add3A_78, %dma_start3A_114] : memref<2x10240x128xf32, #tpu.memory_space<hbm>> -> memref<1x128x128xf32, #tpu.memory_space<hbm>>
      %dma_start3A_116 = tpu.memref_squeeze %dma_start3A_115 : memref<1x128x128xf32, #tpu.memory_space<hbm>> -> memref<128x128xf32, #tpu.memory_space<hbm>>
      tpu.enqueue_dma source(%arg8 : memref<128x128xf32, #tpu.memory_space<vmem>>) target(%dma_start3A_116 : memref<128x128xf32, #tpu.memory_space<hbm>>) target_semaphore(%run_scoped3A : memref<!tpu.dma_semaphore, #tpu.memory_space<semaphore_mem>>)
      %dma_wait3A = arith.constant 0 : i32
      %dma_wait3A_117 = tpu.memref_slice %arg5[%arg0, %add3A_78, %dma_wait3A] : memref<2x10240x128xf32, #tpu.memory_space<hbm>> -> memref<1x128x128xf32, #tpu.memory_space<hbm>>
      %dma_wait3A_118 = tpu.memref_squeeze %dma_wait3A_117 : memref<1x128x128xf32, #tpu.memory_space<hbm>> -> memref<128x128xf32, #tpu.memory_space<hbm>>
      %dma_wait3A_119 = arith.constant 0 : i32
      %dma_wait3A_120 = tpu.memref_slice %arg5[%arg0, %add3A_78, %dma_wait3A_119] : memref<2x10240x128xf32, #tpu.memory_space<hbm>> -> memref<1x128x128xf32, #tpu.memory_space<hbm>>
      %dma_wait3A_121 = tpu.memref_squeeze %dma_wait3A_120 : memref<1x128x128xf32, #tpu.memory_space<hbm>> -> memref<128x128xf32, #tpu.memory_space<hbm>>
      tpu.wait_dma2 semaphore(%run_scoped3A : memref<!tpu.dma_semaphore, #tpu.memory_space<semaphore_mem>>) src(%arg8 : memref<128x128xf32, #tpu.memory_space<vmem>>) dst(%dma_wait3A_121 : memref<128x128xf32, #tpu.memory_space<hbm>>)
      tpu.yield
    }) : () -> ()
    %mul3A_79 = arith.constant 640 : i32
    %mul3A_80 = arith.muli %arg1, %mul3A_79 : i32
    %add3A_81 = arith.constant 128 : i32
    %add3A_82 = arith.addi %mul3A_80, %add3A_81 : i32
    "tpu.region"() ({
      %run_scoped3A = tpu.sem_alloc : memref<!tpu.dma_semaphore, #tpu.memory_space<semaphore_mem>>
      %dma_start3A_111 = arith.constant 0 : i32
      %dma_start3A_112 = tpu.memref_slice %arg10[%add3A_82, %dma_start3A_111] : memref<10240x128xf32, #tpu.memory_space<vmem_shared>> -> memref<128x128xf32, #tpu.memory_space<vmem_shared>>
      %dma_start3A_113 = arith.constant 0 : i32
      %dma_start3A_114 = tpu.memref_slice %arg10[%add3A_82, %dma_start3A_113] : memref<10240x128xf32, #tpu.memory_space<vmem_shared>> -> memref<128x128xf32, #tpu.memory_space<vmem_shared>>
      tpu.enqueue_dma source(%dma_start3A_114 : memref<128x128xf32, #tpu.memory_space<vmem_shared>>) target(%arg8 : memref<128x128xf32, #tpu.memory_space<vmem>>) target_semaphore(%run_scoped3A : memref<!tpu.dma_semaphore, #tpu.memory_space<semaphore_mem>>)
      %dma_wait3A = arith.constant 0 : i32
      %dma_wait3A_115 = tpu.memref_slice %arg10[%add3A_82, %dma_wait3A] : memref<10240x128xf32, #tpu.memory_space<vmem_shared>> -> memref<128x128xf32, #tpu.memory_space<vmem_shared>>
      %dma_wait3A_116 = arith.constant 0 : i32
      %dma_wait3A_117 = tpu.memref_slice %arg10[%add3A_82, %dma_wait3A_116] : memref<10240x128xf32, #tpu.memory_space<vmem_shared>> -> memref<128x128xf32, #tpu.memory_space<vmem_shared>>
      tpu.wait_dma2 semaphore(%run_scoped3A : memref<!tpu.dma_semaphore, #tpu.memory_space<semaphore_mem>>) src(%dma_wait3A_117 : memref<128x128xf32, #tpu.memory_space<vmem_shared>>) dst(%arg8 : memref<128x128xf32, #tpu.memory_space<vmem>>)
      tpu.yield
    }) : () -> ()
    %mul3A_83 = arith.constant 640 : i32
    %mul3A_84 = arith.muli %arg1, %mul3A_83 : i32
    %add3A_85 = arith.constant 128 : i32
    %add3A_86 = arith.addi %mul3A_84, %add3A_85 : i32
    "tpu.region"() ({
      %run_scoped3A = tpu.sem_alloc : memref<!tpu.dma_semaphore, #tpu.memory_space<semaphore_mem>>
      %dma_start3A_111 = arith.constant 0 : i32
      %dma_start3A_112 = tpu.memref_slice %arg5[%arg0, %add3A_86, %dma_start3A_111] : memref<2x10240x128xf32, #tpu.memory_space<hbm>> -> memref<1x128x128xf32, #tpu.memory_space<hbm>>
      %dma_start3A_113 = tpu.memref_squeeze %dma_start3A_112 : memref<1x128x128xf32, #tpu.memory_space<hbm>> -> memref<128x128xf32, #tpu.memory_space<hbm>>
      %dma_start3A_114 = arith.constant 0 : i32
      %dma_start3A_115 = tpu.memref_slice %arg5[%arg0, %add3A_86, %dma_start3A_114] : memref<2x10240x128xf32, #tpu.memory_space<hbm>> -> memref<1x128x128xf32, #tpu.memory_space<hbm>>
      %dma_start3A_116 = tpu.memref_squeeze %dma_start3A_115 : memref<1x128x128xf32, #tpu.memory_space<hbm>> -> memref<128x128xf32, #tpu.memory_space<hbm>>
      tpu.enqueue_dma source(%arg8 : memref<128x128xf32, #tpu.memory_space<vmem>>) target(%dma_start3A_116 : memref<128x128xf32, #tpu.memory_space<hbm>>) target_semaphore(%run_scoped3A : memref<!tpu.dma_semaphore, #tpu.memory_space<semaphore_mem>>)
      %dma_wait3A = arith.constant 0 : i32
      %dma_wait3A_117 = tpu.memref_slice %arg5[%arg0, %add3A_86, %dma_wait3A] : memref<2x10240x128xf32, #tpu.memory_space<hbm>> -> memref<1x128x128xf32, #tpu.memory_space<hbm>>
      %dma_wait3A_118 = tpu.memref_squeeze %dma_wait3A_117 : memref<1x128x128xf32, #tpu.memory_space<hbm>> -> memref<128x128xf32, #tpu.memory_space<hbm>>
      %dma_wait3A_119 = arith.constant 0 : i32
      %dma_wait3A_120 = tpu.memref_slice %arg5[%arg0, %add3A_86, %dma_wait3A_119] : memref<2x10240x128xf32, #tpu.memory_space<hbm>> -> memref<1x128x128xf32, #tpu.memory_space<hbm>>
      %dma_wait3A_121 = tpu.memref_squeeze %dma_wait3A_120 : memref<1x128x128xf32, #tpu.memory_space<hbm>> -> memref<128x128xf32, #tpu.memory_space<hbm>>
      tpu.wait_dma2 semaphore(%run_scoped3A : memref<!tpu.dma_semaphore, #tpu.memory_space<semaphore_mem>>) src(%arg8 : memref<128x128xf32, #tpu.memory_space<vmem>>) dst(%dma_wait3A_121 : memref<128x128xf32, #tpu.memory_space<hbm>>)
      tpu.yield
    }) : () -> ()
    %mul3A_87 = arith.constant 640 : i32
    %mul3A_88 = arith.muli %arg1, %mul3A_87 : i32
    %add3A_89 = arith.constant 256 : i32
    %add3A_90 = arith.addi %mul3A_88, %add3A_89 : i32
    "tpu.region"() ({
      %run_scoped3A = tpu.sem_alloc : memref<!tpu.dma_semaphore, #tpu.memory_space<semaphore_mem>>
      %dma_start3A_111 = arith.constant 0 : i32
      %dma_start3A_112 = tpu.memref_slice %arg10[%add3A_90, %dma_start3A_111] : memref<10240x128xf32, #tpu.memory_space<vmem_shared>> -> memref<128x128xf32, #tpu.memory_space<vmem_shared>>
      %dma_start3A_113 = arith.constant 0 : i32
      %dma_start3A_114 = tpu.memref_slice %arg10[%add3A_90, %dma_start3A_113] : memref<10240x128xf32, #tpu.memory_space<vmem_shared>> -> memref<128x128xf32, #tpu.memory_space<vmem_shared>>
      tpu.enqueue_dma source(%dma_start3A_114 : memref<128x128xf32, #tpu.memory_space<vmem_shared>>) target(%arg8 : memref<128x128xf32, #tpu.memory_space<vmem>>) target_semaphore(%run_scoped3A : memref<!tpu.dma_semaphore, #tpu.memory_space<semaphore_mem>>)
      %dma_wait3A = arith.constant 0 : i32
      %dma_wait3A_115 = tpu.memref_slice %arg10[%add3A_90, %dma_wait3A] : memref<10240x128xf32, #tpu.memory_space<vmem_shared>> -> memref<128x128xf32, #tpu.memory_space<vmem_shared>>
      %dma_wait3A_116 = arith.constant 0 : i32
      %dma_wait3A_117 = tpu.memref_slice %arg10[%add3A_90, %dma_wait3A_116] : memref<10240x128xf32, #tpu.memory_space<vmem_shared>> -> memref<128x128xf32, #tpu.memory_space<vmem_shared>>
      tpu.wait_dma2 semaphore(%run_scoped3A : memref<!tpu.dma_semaphore, #tpu.memory_space<semaphore_mem>>) src(%dma_wait3A_117 : memref<128x128xf32, #tpu.memory_space<vmem_shared>>) dst(%arg8 : memref<128x128xf32, #tpu.memory_space<vmem>>)
      tpu.yield
    }) : () -> ()
    %mul3A_91 = arith.constant 640 : i32
    %mul3A_92 = arith.muli %arg1, %mul3A_91 : i32
    %add3A_93 = arith.constant 256 : i32
    %add3A_94 = arith.addi %mul3A_92, %add3A_93 : i32
    "tpu.region"() ({
      %run_scoped3A = tpu.sem_alloc : memref<!tpu.dma_semaphore, #tpu.memory_space<semaphore_mem>>
      %dma_start3A_111 = arith.constant 0 : i32
      %dma_start3A_112 = tpu.memref_slice %arg5[%arg0, %add3A_94, %dma_start3A_111] : memref<2x10240x128xf32, #tpu.memory_space<hbm>> -> memref<1x128x128xf32, #tpu.memory_space<hbm>>
      %dma_start3A_113 = tpu.memref_squeeze %dma_start3A_112 : memref<1x128x128xf32, #tpu.memory_space<hbm>> -> memref<128x128xf32, #tpu.memory_space<hbm>>
      %dma_start3A_114 = arith.constant 0 : i32
      %dma_start3A_115 = tpu.memref_slice %arg5[%arg0, %add3A_94, %dma_start3A_114] : memref<2x10240x128xf32, #tpu.memory_space<hbm>> -> memref<1x128x128xf32, #tpu.memory_space<hbm>>
      %dma_start3A_116 = tpu.memref_squeeze %dma_start3A_115 : memref<1x128x128xf32, #tpu.memory_space<hbm>> -> memref<128x128xf32, #tpu.memory_space<hbm>>
      tpu.enqueue_dma source(%arg8 : memref<128x128xf32, #tpu.memory_space<vmem>>) target(%dma_start3A_116 : memref<128x128xf32, #tpu.memory_space<hbm>>) target_semaphore(%run_scoped3A : memref<!tpu.dma_semaphore, #tpu.memory_space<semaphore_mem>>)
      %dma_wait3A = arith.constant 0 : i32
      %dma_wait3A_117 = tpu.memref_slice %arg5[%arg0, %add3A_94, %dma_wait3A] : memref<2x10240x128xf32, #tpu.memory_space<hbm>> -> memref<1x128x128xf32, #tpu.memory_space<hbm>>
      %dma_wait3A_118 = tpu.memref_squeeze %dma_wait3A_117 : memref<1x128x128xf32, #tpu.memory_space<hbm>> -> memref<128x128xf32, #tpu.memory_space<hbm>>
      %dma_wait3A_119 = arith.constant 0 : i32
      %dma_wait3A_120 = tpu.memref_slice %arg5[%arg0, %add3A_94, %dma_wait3A_119] : memref<2x10240x128xf32, #tpu.memory_space<hbm>> -> memref<1x128x128xf32, #tpu.memory_space<hbm>>
      %dma_wait3A_121 = tpu.memref_squeeze %dma_wait3A_120 : memref<1x128x128xf32, #tpu.memory_space<hbm>> -> memref<128x128xf32, #tpu.memory_space<hbm>>
      tpu.wait_dma2 semaphore(%run_scoped3A : memref<!tpu.dma_semaphore, #tpu.memory_space<semaphore_mem>>) src(%arg8 : memref<128x128xf32, #tpu.memory_space<vmem>>) dst(%dma_wait3A_121 : memref<128x128xf32, #tpu.memory_space<hbm>>)
      tpu.yield
    }) : () -> ()
    %mul3A_95 = arith.constant 640 : i32
    %mul3A_96 = arith.muli %arg1, %mul3A_95 : i32
    %add3A_97 = arith.constant 384 : i32
    %add3A_98 = arith.addi %mul3A_96, %add3A_97 : i32
    "tpu.region"() ({
      %run_scoped3A = tpu.sem_alloc : memref<!tpu.dma_semaphore, #tpu.memory_space<semaphore_mem>>
      %dma_start3A_111 = arith.constant 0 : i32
      %dma_start3A_112 = tpu.memref_slice %arg10[%add3A_98, %dma_start3A_111] : memref<10240x128xf32, #tpu.memory_space<vmem_shared>> -> memref<128x128xf32, #tpu.memory_space<vmem_shared>>
      %dma_start3A_113 = arith.constant 0 : i32
      %dma_start3A_114 = tpu.memref_slice %arg10[%add3A_98, %dma_start3A_113] : memref<10240x128xf32, #tpu.memory_space<vmem_shared>> -> memref<128x128xf32, #tpu.memory_space<vmem_shared>>
      tpu.enqueue_dma source(%dma_start3A_114 : memref<128x128xf32, #tpu.memory_space<vmem_shared>>) target(%arg8 : memref<128x128xf32, #tpu.memory_space<vmem>>) target_semaphore(%run_scoped3A : memref<!tpu.dma_semaphore, #tpu.memory_space<semaphore_mem>>)
      %dma_wait3A = arith.constant 0 : i32
      %dma_wait3A_115 = tpu.memref_slice %arg10[%add3A_98, %dma_wait3A] : memref<10240x128xf32, #tpu.memory_space<vmem_shared>> -> memref<128x128xf32, #tpu.memory_space<vmem_shared>>
      %dma_wait3A_116 = arith.constant 0 : i32
      %dma_wait3A_117 = tpu.memref_slice %arg10[%add3A_98, %dma_wait3A_116] : memref<10240x128xf32, #tpu.memory_space<vmem_shared>> -> memref<128x128xf32, #tpu.memory_space<vmem_shared>>
      tpu.wait_dma2 semaphore(%run_scoped3A : memref<!tpu.dma_semaphore, #tpu.memory_space<semaphore_mem>>) src(%dma_wait3A_117 : memref<128x128xf32, #tpu.memory_space<vmem_shared>>) dst(%arg8 : memref<128x128xf32, #tpu.memory_space<vmem>>)
      tpu.yield
    }) : () -> ()
    %mul3A_99 = arith.constant 640 : i32
    %mul3A_100 = arith.muli %arg1, %mul3A_99 : i32
    %add3A_101 = arith.constant 384 : i32
    %add3A_102 = arith.addi %mul3A_100, %add3A_101 : i32
    "tpu.region"() ({
      %run_scoped3A = tpu.sem_alloc : memref<!tpu.dma_semaphore, #tpu.memory_space<semaphore_mem>>
      %dma_start3A_111 = arith.constant 0 : i32
      %dma_start3A_112 = tpu.memref_slice %arg5[%arg0, %add3A_102, %dma_start3A_111] : memref<2x10240x128xf32, #tpu.memory_space<hbm>> -> memref<1x128x128xf32, #tpu.memory_space<hbm>>
      %dma_start3A_113 = tpu.memref_squeeze %dma_start3A_112 : memref<1x128x128xf32, #tpu.memory_space<hbm>> -> memref<128x128xf32, #tpu.memory_space<hbm>>
      %dma_start3A_114 = arith.constant 0 : i32
      %dma_start3A_115 = tpu.memref_slice %arg5[%arg0, %add3A_102, %dma_start3A_114] : memref<2x10240x128xf32, #tpu.memory_space<hbm>> -> memref<1x128x128xf32, #tpu.memory_space<hbm>>
      %dma_start3A_116 = tpu.memref_squeeze %dma_start3A_115 : memref<1x128x128xf32, #tpu.memory_space<hbm>> -> memref<128x128xf32, #tpu.memory_space<hbm>>
      tpu.enqueue_dma source(%arg8 : memref<128x128xf32, #tpu.memory_space<vmem>>) target(%dma_start3A_116 : memref<128x128xf32, #tpu.memory_space<hbm>>) target_semaphore(%run_scoped3A : memref<!tpu.dma_semaphore, #tpu.memory_space<semaphore_mem>>)
      %dma_wait3A = arith.constant 0 : i32
      %dma_wait3A_117 = tpu.memref_slice %arg5[%arg0, %add3A_102, %dma_wait3A] : memref<2x10240x128xf32, #tpu.memory_space<hbm>> -> memref<1x128x128xf32, #tpu.memory_space<hbm>>
      %dma_wait3A_118 = tpu.memref_squeeze %dma_wait3A_117 : memref<1x128x128xf32, #tpu.memory_space<hbm>> -> memref<128x128xf32, #tpu.memory_space<hbm>>
      %dma_wait3A_119 = arith.constant 0 : i32
      %dma_wait3A_120 = tpu.memref_slice %arg5[%arg0, %add3A_102, %dma_wait3A_119] : memref<2x10240x128xf32, #tpu.memory_space<hbm>> -> memref<1x128x128xf32, #tpu.memory_space<hbm>>
      %dma_wait3A_121 = tpu.memref_squeeze %dma_wait3A_120 : memref<1x128x128xf32, #tpu.memory_space<hbm>> -> memref<128x128xf32, #tpu.memory_space<hbm>>
      tpu.wait_dma2 semaphore(%run_scoped3A : memref<!tpu.dma_semaphore, #tpu.memory_space<semaphore_mem>>) src(%arg8 : memref<128x128xf32, #tpu.memory_space<vmem>>) dst(%dma_wait3A_121 : memref<128x128xf32, #tpu.memory_space<hbm>>)
      tpu.yield
    }) : () -> ()
    %mul3A_103 = arith.constant 640 : i32
    %mul3A_104 = arith.muli %arg1, %mul3A_103 : i32
    %add3A_105 = arith.constant 512 : i32
    %add3A_106 = arith.addi %mul3A_104, %add3A_105 : i32
    "tpu.region"() ({
      %run_scoped3A = tpu.sem_alloc : memref<!tpu.dma_semaphore, #tpu.memory_space<semaphore_mem>>
      %dma_start3A_111 = arith.constant 0 : i32
      %dma_start3A_112 = tpu.memref_slice %arg10[%add3A_106, %dma_start3A_111] : memref<10240x128xf32, #tpu.memory_space<vmem_shared>> -> memref<128x128xf32, #tpu.memory_space<vmem_shared>>
      %dma_start3A_113 = arith.constant 0 : i32
      %dma_start3A_114 = tpu.memref_slice %arg10[%add3A_106, %dma_start3A_113] : memref<10240x128xf32, #tpu.memory_space<vmem_shared>> -> memref<128x128xf32, #tpu.memory_space<vmem_shared>>
      tpu.enqueue_dma source(%dma_start3A_114 : memref<128x128xf32, #tpu.memory_space<vmem_shared>>) target(%arg8 : memref<128x128xf32, #tpu.memory_space<vmem>>) target_semaphore(%run_scoped3A : memref<!tpu.dma_semaphore, #tpu.memory_space<semaphore_mem>>)
      %dma_wait3A = arith.constant 0 : i32
      %dma_wait3A_115 = tpu.memref_slice %arg10[%add3A_106, %dma_wait3A] : memref<10240x128xf32, #tpu.memory_space<vmem_shared>> -> memref<128x128xf32, #tpu.memory_space<vmem_shared>>
      %dma_wait3A_116 = arith.constant 0 : i32
      %dma_wait3A_117 = tpu.memref_slice %arg10[%add3A_106, %dma_wait3A_116] : memref<10240x128xf32, #tpu.memory_space<vmem_shared>> -> memref<128x128xf32, #tpu.memory_space<vmem_shared>>
      tpu.wait_dma2 semaphore(%run_scoped3A : memref<!tpu.dma_semaphore, #tpu.memory_space<semaphore_mem>>) src(%dma_wait3A_117 : memref<128x128xf32, #tpu.memory_space<vmem_shared>>) dst(%arg8 : memref<128x128xf32, #tpu.memory_space<vmem>>)
      tpu.yield
    }) : () -> ()
    %mul3A_107 = arith.constant 640 : i32
    %mul3A_108 = arith.muli %arg1, %mul3A_107 : i32
    %add3A_109 = arith.constant 512 : i32
    %add3A_110 = arith.addi %mul3A_108, %add3A_109 : i32
    "tpu.region"() ({
      %run_scoped3A = tpu.sem_alloc : memref<!tpu.dma_semaphore, #tpu.memory_space<semaphore_mem>>
      %dma_start3A_111 = arith.constant 0 : i32
      %dma_start3A_112 = tpu.memref_slice %arg5[%arg0, %add3A_110, %dma_start3A_111] : memref<2x10240x128xf32, #tpu.memory_space<hbm>> -> memref<1x128x128xf32, #tpu.memory_space<hbm>>
      %dma_start3A_113 = tpu.memref_squeeze %dma_start3A_112 : memref<1x128x128xf32, #tpu.memory_space<hbm>> -> memref<128x128xf32, #tpu.memory_space<hbm>>
      %dma_start3A_114 = arith.constant 0 : i32
      %dma_start3A_115 = tpu.memref_slice %arg5[%arg0, %add3A_110, %dma_start3A_114] : memref<2x10240x128xf32, #tpu.memory_space<hbm>> -> memref<1x128x128xf32, #tpu.memory_space<hbm>>
      %dma_start3A_116 = tpu.memref_squeeze %dma_start3A_115 : memref<1x128x128xf32, #tpu.memory_space<hbm>> -> memref<128x128xf32, #tpu.memory_space<hbm>>
      tpu.enqueue_dma source(%arg8 : memref<128x128xf32, #tpu.memory_space<vmem>>) target(%dma_start3A_116 : memref<128x128xf32, #tpu.memory_space<hbm>>) target_semaphore(%run_scoped3A : memref<!tpu.dma_semaphore, #tpu.memory_space<semaphore_mem>>)
      %dma_wait3A = arith.constant 0 : i32
      %dma_wait3A_117 = tpu.memref_slice %arg5[%arg0, %add3A_110, %dma_wait3A] : memref<2x10240x128xf32, #tpu.memory_space<hbm>> -> memref<1x128x128xf32, #tpu.memory_space<hbm>>
      %dma_wait3A_118 = tpu.memref_squeeze %dma_wait3A_117 : memref<1x128x128xf32, #tpu.memory_space<hbm>> -> memref<128x128xf32, #tpu.memory_space<hbm>>
      %dma_wait3A_119 = arith.constant 0 : i32
      %dma_wait3A_120 = tpu.memref_slice %arg5[%arg0, %add3A_110, %dma_wait3A_119] : memref<2x10240x128xf32, #tpu.memory_space<hbm>> -> memref<1x128x128xf32, #tpu.memory_space<hbm>>
      %dma_wait3A_121 = tpu.memref_squeeze %dma_wait3A_120 : memref<1x128x128xf32, #tpu.memory_space<hbm>> -> memref<128x128xf32, #tpu.memory_space<hbm>>
      tpu.wait_dma2 semaphore(%run_scoped3A : memref<!tpu.dma_semaphore, #tpu.memory_space<semaphore_mem>>) src(%arg8 : memref<128x128xf32, #tpu.memory_space<vmem>>) dst(%dma_wait3A_121 : memref<128x128xf32, #tpu.memory_space<hbm>>)
      tpu.yield
    }) : () -> ()
    return
  }
}

module attributes {stable_mosaic.version = 14 : i64} {
  func.func @_tc_matmul_body(%arg0: i32, %arg1: memref<1000x128xf32, #tpu.memory_space<vmem>>, %arg2: memref<128x128xf32, #tpu.memory_space<vmem>>, %arg3: memref<1000x128xf32, #tpu.memory_space<vmem>>) attributes {dimension_semantics = [#tpu.dimension_semantics<arbitrary>], iteration_bounds = array<i64: 10>, scalar_prefetch = 0 : i64, scratch_operands = 0 : i64, tpu.core_type = #tpu.core_type<tc>, window_params = [{transform_indices = @transform_0, window_bounds = array<i64: 1000, 128>}, {pipeline_mode = #tpu.pipeline_mode<synchronous>, transform_indices = @transform_1, window_bounds = array<i64: 128, 128>}, {transform_indices = @transform_2, window_bounds = array<i64: 1000, 128>}]} {
    %get3A = arith.constant 0 : index
    %get3A_0 = arith.constant 0 : index
    %get3A_1 = vector.load %arg1[%get3A, %get3A_0] : memref<1000x128xf32, #tpu.memory_space<vmem>>, vector<1000x128xf32>
    %get3A_2 = arith.constant 0 : index
    %get3A_3 = arith.constant 0 : index
    %get3A_4 = vector.load %arg2[%get3A_2, %get3A_3] : memref<128x128xf32, #tpu.memory_space<vmem>>, vector<128x128xf32>
    %dot_general3A = arith.constant dense<0.000000e+00> : vector<1000x128xf32>
    %dot_general3A_5 = tpu.matmul %get3A_1, %get3A_4, %dot_general3A {dimension_numbers = #tpu.dot_dimension_numbers<[1], [1], [0], [0], [0, 0, 1, 0], [], []>, transpose_lhs_hint = false} : vector<1000x128xf32>, vector<128x128xf32>, vector<1000x128xf32> -> vector<1000x128xf32>
    %swap3A = arith.constant 0 : index
    %swap3A_6 = arith.constant 0 : index
    %swap3A_7 = vector.load %arg3[%swap3A, %swap3A_6] : memref<1000x128xf32, #tpu.memory_space<vmem>>, vector<1000x128xf32>
    tpu.vector_store %arg3[%swap3A, %swap3A_6], %dot_general3A_5 {strides = array<i32>} : memref<1000x128xf32, #tpu.memory_space<vmem>>, vector<1000x128xf32>,
    return
  }
  func.func @transform_0(%arg0: i32) -> (i32, i32) {
    %c0_i32 = arith.constant 0 : i32
    %c0_i32_0 = arith.constant 0 : i32
    return %arg0, %c0_i32 : i32, i32
  }
  func.func @transform_1(%arg0: i32) -> (i32, i32) {
    %c0_i32 = arith.constant 0 : i32
    %c0_i32_0 = arith.constant 0 : i32
    %c0_i32_1 = arith.constant 0 : i32
    return %c0_i32, %c0_i32_0 : i32, i32
  }
  func.func @transform_2(%arg0: i32) -> (i32, i32) {
    %c0_i32 = arith.constant 0 : i32
    %c0_i32_0 = arith.constant 0 : i32
    return %arg0, %c0_i32 : i32, i32
  }
}

module attributes {stable_mosaic.version = 14 : i64} {
  func.func @_tc_scale_body(%arg0: i32, %arg1: memref<1000x128xf32, #tpu.memory_space<vmem>>, %arg2: memref<2x1000x128xf32, #tpu.memory_space<vmem>>, %arg3: memref<1000x128xf32, #tpu.memory_space<vmem>>) attributes {dimension_semantics = [#tpu.dimension_semantics<arbitrary>], iteration_bounds = array<i64: 10>, scalar_prefetch = 0 : i64, scratch_operands = 0 : i64, tpu.core_type = #tpu.core_type<tc>, window_params = [{transform_indices = @transform_0, window_bounds = array<i64: 1000, 128>}, {transform_indices = @transform_1, window_bounds = array<i64: 2, 1000, 128>}, {transform_indices = @transform_2, window_bounds = array<i64: 1000, 128>}]} {
    %get3A = arith.constant 0 : index
    %get3A_0 = arith.constant 0 : index
    %get3A_1 = arith.constant 0 : index
    %get3A_2 = vector.load %arg2[%get3A, %get3A_0, %get3A_1] : memref<2x1000x128xf32, #tpu.memory_space<vmem>>, vector<1x1000x1xf32>
    %get3A_3 = vector.shape_cast %get3A_2 : vector<1x1000x1xf32> to vector<1000x1xf32>
    %get3A_4 = arith.constant 1 : index
    %get3A_5 = arith.constant 0 : index
    %get3A_6 = arith.constant 0 : index
    %get3A_7 = vector.load %arg2[%get3A_4, %get3A_5, %get3A_6] : memref<2x1000x128xf32, #tpu.memory_space<vmem>>, vector<1x1000x1xf32>
    %get3A_8 = vector.shape_cast %get3A_7 : vector<1x1000x1xf32> to vector<1000x1xf32>
    %add3A = arith.addf %get3A_3, %get3A_8 : vector<1000x1xf32>
    %add3A_9 = arith.constant 1.000000e+00 : f32
    %add3A_10 = vector.broadcast %add3A_9 : f32 to vector<1000x1xf32>
    %add3A_11 = arith.addf %add3A, %add3A_10 : vector<1000x1xf32>
    %get3A_12 = arith.constant 0 : index
    %get3A_13 = arith.constant 0 : index
    %get3A_14 = vector.load %arg1[%get3A_12, %get3A_13] : memref<1000x128xf32, #tpu.memory_space<vmem>>, vector<1000x128xf32>
    %rsqrt3A = math.rsqrt %add3A_11 : vector<1000x1xf32>
    %mul3A = vector.broadcast %rsqrt3A : vector<1000x1xf32> to vector<1000x128xf32>
    %mul3A_15 = arith.mulf %get3A_14, %mul3A : vector<1000x128xf32>
    %swap3A = arith.constant 0 : index
    %swap3A_16 = arith.constant 0 : index
    %swap3A_17 = vector.load %arg3[%swap3A, %swap3A_16] : memref<1000x128xf32, #tpu.memory_space<vmem>>, vector<1000x128xf32>
    tpu.vector_store %arg3[%swap3A, %swap3A_16], %mul3A_15 {strides = array<i32>} : memref<1000x128xf32, #tpu.memory_space<vmem>>, vector<1000x128xf32>,
    return
  }
  func.func @transform_0(%arg0: i32) -> (i32, i32) {
    %c0_i32 = arith.constant 0 : i32
    %c0_i32_0 = arith.constant 0 : i32
    return %arg0, %c0_i32 : i32, i32
  }
  func.func @transform_1(%arg0: i32) -> (i32, i32, i32) {
    %c0_i32 = arith.constant 0 : i32
    %c0_i32_0 = arith.constant 0 : i32
    %c0_i32_1 = arith.constant 0 : i32
    return %c0_i32, %arg0, %c0_i32_0 : i32, i32, i32
  }
  func.func @transform_2(%arg0: i32) -> (i32, i32) {
    %c0_i32 = arith.constant 0 : i32
    %c0_i32_0 = arith.constant 0 : i32
    return %arg0, %c0_i32 : i32, i32
  }
}

module attributes {stable_mosaic.version = 14 : i64} {
  func.func @_tc_bn_body(%arg0: i32, %arg1: i32, %arg2: memref<2x1000x128xf32, #tpu.memory_space<vmem>>, %arg3: memref<1000x128xf32, #tpu.memory_space<vmem>>, %arg4: memref<2x1000x128xf32, #tpu.memory_space<vmem>>, %arg5: memref<1x128xf32, #tpu.memory_space<vmem>>, %arg6: memref<1x128xf32, #tpu.memory_space<vmem>>, %arg7: memref<1x128xf32, #tpu.memory_space<vmem>>, %arg8: memref<1000x128xf32, #tpu.memory_space<vmem>>, %arg9: memref<1000x128xf32, #tpu.memory_space<vmem>>, %arg10: memref<10000x128xf32, #tpu.memory_space<vmem>>, %arg11: memref<1x128xf32, #tpu.memory_space<vmem>>, %arg12: memref<1x128xf32, #tpu.memory_space<vmem>>) attributes {dimension_semantics = [#tpu.dimension_semantics<arbitrary>, #tpu.dimension_semantics<arbitrary>], iteration_bounds = array<i64: 2, 10>, scalar_prefetch = 0 : i64, scratch_operands = 3 : i64, tpu.core_type = #tpu.core_type<tc>, window_params = [{transform_indices = @transform_0, window_bounds = array<i64: 2, 1000, 128>}, {transform_indices = @transform_1, window_bounds = array<i64: 1000, 128>}, {transform_indices = @transform_2, window_bounds = array<i64: 2, 1000, 128>}, {pipeline_mode = #tpu.pipeline_mode<synchronous>, transform_indices = @transform_3, window_bounds = array<i64: 1, 128>}, {pipeline_mode = #tpu.pipeline_mode<synchronous>, transform_indices = @transform_4, window_bounds = array<i64: 1, 128>}, {pipeline_mode = #tpu.pipeline_mode<synchronous>, transform_indices = @transform_5, window_bounds = array<i64: 1, 128>}, {transform_indices = @transform_6, window_bounds = array<i64: 1000, 128>}, {transform_indices = @transform_7, window_bounds = array<i64: 1000, 128>}]} {
    %eq3A = arith.constant 0 : i32
    %eq3A_0 = arith.cmpi eq, %arg0, %eq3A : i32
    %eq3A_1 = arith.constant 0 : i32
    %eq3A_2 = arith.cmpi eq, %arg1, %eq3A_1 : i32
    %and3A = arith.andi %eq3A_0, %eq3A_2 : i1
    %convert_element_type3A = arith.extui %and3A : i1 to i32
    %cond3A = arith.constant 0 : i32
    %cond3A_3 = arith.cmpi ne, %convert_element_type3A, %cond3A : i32
    scf.if %cond3A_3 {
      %broadcast_in_dim3A = arith.constant 0.000000e+00 : f32
      %broadcast_in_dim3A_14 = vector.broadcast %broadcast_in_dim3A : f32 to vector<1x128xf32>
      %swap3A = arith.constant 0 : index
      %swap3A_15 = arith.constant 0 : index
      %swap3A_16 = vector.load %arg11[%swap3A, %swap3A_15] : memref<1x128xf32, #tpu.memory_space<vmem>>, vector<1x128xf32>
      tpu.vector_store %arg11[%swap3A, %swap3A_15], %broadcast_in_dim3A_14 {strides = array<i32>} : memref<1x128xf32, #tpu.memory_space<vmem>>, vector<1x128xf32>,
      %broadcast_in_dim3A_17 = arith.constant 0.000000e+00 : f32
      %broadcast_in_dim3A_18 = vector.broadcast %broadcast_in_dim3A_17 : f32 to vector<1x128xf32>
      %swap3A_19 = arith.constant 0 : index
      %swap3A_20 = arith.constant 0 : index
      %swap3A_21 = vector.load %arg12[%swap3A_19, %swap3A_20] : memref<1x128xf32, #tpu.memory_space<vmem>>, vector<1x128xf32>
      tpu.vector_store %arg12[%swap3A_19, %swap3A_20], %broadcast_in_dim3A_18 {strides = array<i32>} : memref<1x128xf32, #tpu.memory_space<vmem>>, vector<1x128xf32>,
    } else {
    }
    %eq3A_4 = arith.constant 0 : i32
    %eq3A_5 = arith.cmpi eq, %arg0, %eq3A_4 : i32
    %convert_element_type3A_6 = arith.extui %eq3A_5 : i1 to i32
    %cond3A_7 = arith.constant 0 : i32
    %cond3A_8 = arith.cmpi ne, %convert_element_type3A_6, %cond3A_7 : i32
    scf.if %cond3A_8 {
      %get3A = arith.constant 0 : index
      %get3A_14 = arith.constant 0 : index
      %get3A_15 = arith.constant 0 : index
      %get3A_16 = vector.load %arg4[%get3A, %get3A_14, %get3A_15] : memref<2x1000x128xf32, #tpu.memory_space<vmem>>, vector<1x1000x1xf32>
      %get3A_17 = vector.shape_cast %get3A_16 : vector<1x1000x1xf32> to vector<1000x1xf32>
      %get3A_18 = arith.constant 1 : index
      %get3A_19 = arith.constant 0 : index
      %get3A_20 = arith.constant 0 : index
      %get3A_21 = vector.load %arg4[%get3A_18, %get3A_19, %get3A_20] : memref<2x1000x128xf32, #tpu.memory_space<vmem>>, vector<1x1000x1xf32>
      %get3A_22 = vector.shape_cast %get3A_21 : vector<1x1000x1xf32> to vector<1000x1xf32>
      %add3A = arith.addf %get3A_17, %get3A_22 : vector<1000x1xf32>
      %add3A_23 = arith.constant 1.000000e+00 : f32
      %add3A_24 = vector.broadcast %add3A_23 : f32 to vector<1000x1xf32>
      %add3A_25 = arith.addf %add3A, %add3A_24 : vector<1000x1xf32>
      %rsqrt3A = math.rsqrt %add3A_25 : vector<1000x1xf32>
      %get3A_26 = arith.constant 0 : index
      %get3A_27 = arith.constant 0 : index
      %get3A_28 = arith.constant 0 : index
      %get3A_29 = vector.load %arg2[%get3A_26, %get3A_27, %get3A_28] : memref<2x1000x128xf32, #tpu.memory_space<vmem>>, vector<1x1000x128xf32>
      %get3A_30 = vector.shape_cast %get3A_29 : vector<1x1000x128xf32> to vector<1000x128xf32>
      %get3A_31 = arith.constant 1 : index
      %get3A_32 = arith.constant 0 : index
      %get3A_33 = arith.constant 0 : index
      %get3A_34 = vector.load %arg2[%get3A_31, %get3A_32, %get3A_33] : memref<2x1000x128xf32, #tpu.memory_space<vmem>>, vector<1x1000x128xf32>
      %get3A_35 = vector.shape_cast %get3A_34 : vector<1x1000x128xf32> to vector<1000x128xf32>
      %add3A_36 = arith.addf %get3A_30, %get3A_35 : vector<1000x128xf32>
      %get3A_37 = arith.constant 0 : index
      %get3A_38 = arith.constant 0 : index
      %get3A_39 = vector.load %arg3[%get3A_37, %get3A_38] : memref<1000x128xf32, #tpu.memory_space<vmem>>, vector<1000x128xf32>
      %add3A_40 = arith.addf %add3A_36, %get3A_39 : vector<1000x128xf32>
      %mul3A = vector.broadcast %rsqrt3A : vector<1000x1xf32> to vector<1000x128xf32>
      %mul3A_41 = arith.mulf %add3A_40, %mul3A : vector<1000x128xf32>
      %get3A_42 = arith.constant 0 : index
      %get3A_43 = arith.constant 0 : index
      %get3A_44 = vector.load %arg5[%get3A_42, %get3A_43] : memref<1x128xf32, #tpu.memory_space<vmem>>, vector<1x128xf32>
      %add3A_45 = vector.broadcast %get3A_44 : vector<1x128xf32> to vector<1000x128xf32>
      %add3A_46 = arith.addf %mul3A_41, %add3A_45 : vector<1000x128xf32>
      %mul3A_47 = arith.constant 1000 : i32
      %mul3A_48 = arith.muli %arg1, %mul3A_47 : i32
      %swap3A = arith.index_cast %mul3A_48 : i32 to index
      %swap3A_49 = arith.constant 0 : index
      %swap3A_50 = vector.load %arg10[%swap3A, %swap3A_49] : memref<10000x128xf32, #tpu.memory_space<vmem>>, vector<1000x128xf32>
      tpu.vector_store %arg10[%swap3A, %swap3A_49], %add3A_46 {strides = array<i32>} : memref<10000x128xf32, #tpu.memory_space<vmem>>, vector<1000x128xf32>,
      %get3A_51 = arith.constant 0 : index
      %get3A_52 = arith.constant 0 : index
      %get3A_53 = vector.load %arg11[%get3A_51, %get3A_52] : memref<1x128xf32, #tpu.memory_space<vmem>>, vector<1x128xf32>
      %reduce_sum3A = arith.constant dense<0.000000e+00> : vector<128xf32>
      %reduce_sum3A_54 = vector.multi_reduction <add>, %add3A_46, %reduce_sum3A [0] : vector<1000x128xf32> to vector<128xf32>
      %broadcast_in_dim3A = vector.shape_cast %reduce_sum3A_54 : vector<128xf32> to vector<1x128xf32>
      %add3A_55 = arith.addf %get3A_53, %broadcast_in_dim3A : vector<1x128xf32>
      %swap3A_56 = arith.constant 0 : index
      %swap3A_57 = arith.constant 0 : index
      %swap3A_58 = vector.load %arg11[%swap3A_56, %swap3A_57] : memref<1x128xf32, #tpu.memory_space<vmem>>, vector<1x128xf32>
      tpu.vector_store %arg11[%swap3A_56, %swap3A_57], %add3A_55 {strides = array<i32>} : memref<1x128xf32, #tpu.memory_space<vmem>>, vector<1x128xf32>,
      %get3A_59 = arith.constant 0 : index
      %get3A_60 = arith.constant 0 : index
      %get3A_61 = vector.load %arg12[%get3A_59, %get3A_60] : memref<1x128xf32, #tpu.memory_space<vmem>>, vector<1x128xf32>
      %mul3A_62 = arith.mulf %add3A_46, %add3A_46 : vector<1000x128xf32>
      %reduce_sum3A_63 = arith.constant dense<0.000000e+00> : vector<128xf32>
      %reduce_sum3A_64 = vector.multi_reduction <add>, %mul3A_62, %reduce_sum3A_63 [0] : vector<1000x128xf32> to vector<128xf32>
      %broadcast_in_dim3A_65 = vector.shape_cast %reduce_sum3A_64 : vector<128xf32> to vector<1x128xf32>
      %add3A_66 = arith.addf %get3A_61, %broadcast_in_dim3A_65 : vector<1x128xf32>
      %swap3A_67 = arith.constant 0 : index
      %swap3A_68 = arith.constant 0 : index
      %swap3A_69 = vector.load %arg12[%swap3A_67, %swap3A_68] : memref<1x128xf32, #tpu.memory_space<vmem>>, vector<1x128xf32>
      tpu.vector_store %arg12[%swap3A_67, %swap3A_68], %add3A_66 {strides = array<i32>} : memref<1x128xf32, #tpu.memory_space<vmem>>, vector<1x128xf32>,
    } else {
    }
    %eq3A_9 = arith.constant 1 : i32
    %eq3A_10 = arith.cmpi eq, %arg0, %eq3A_9 : i32
    %convert_element_type3A_11 = arith.extui %eq3A_10 : i1 to i32
    %cond3A_12 = arith.constant 0 : i32
    %cond3A_13 = arith.cmpi ne, %convert_element_type3A_11, %cond3A_12 : i32
    scf.if %cond3A_13 {
      %get3A = arith.constant 0 : index
      %get3A_14 = arith.constant 0 : index
      %get3A_15 = vector.load %arg11[%get3A, %get3A_14] : memref<1x128xf32, #tpu.memory_space<vmem>>, vector<1x128xf32>
      %mul3A = arith.constant 9.99999974E-5 : f32
      %mul3A_16 = vector.broadcast %mul3A : f32 to vector<1x128xf32>
      %mul3A_17 = arith.mulf %get3A_15, %mul3A_16 : vector<1x128xf32>
      %get3A_18 = arith.constant 0 : index
      %get3A_19 = arith.constant 0 : index
      %get3A_20 = vector.load %arg12[%get3A_18, %get3A_19] : memref<1x128xf32, #tpu.memory_space<vmem>>, vector<1x128xf32>
      %mul3A_21 = arith.constant 9.99999974E-5 : f32
      %mul3A_22 = vector.broadcast %mul3A_21 : f32 to vector<1x128xf32>
      %mul3A_23 = arith.mulf %get3A_20, %mul3A_22 : vector<1x128xf32>
      %mul3A_24 = arith.mulf %mul3A_17, %mul3A_17 : vector<1x128xf32>
      %sub3A = arith.subf %mul3A_23, %mul3A_24 : vector<1x128xf32>
      %get3A_25 = arith.constant 0 : index
      %get3A_26 = arith.constant 0 : index
      %get3A_27 = vector.load %arg6[%get3A_25, %get3A_26] : memref<1x128xf32, #tpu.memory_space<vmem>>, vector<1x128xf32>
      %add3A = arith.constant 9.99999974E-6 : f32
      %add3A_28 = vector.broadcast %add3A : f32 to vector<1x128xf32>
      %add3A_29 = arith.addf %sub3A, %add3A_28 : vector<1x128xf32>
      %rsqrt3A = math.rsqrt %add3A_29 : vector<1x128xf32>
      %mul3A_30 = arith.mulf %get3A_27, %rsqrt3A : vector<1x128xf32>
      %mul3A_31 = arith.constant 1000 : i32
      %mul3A_32 = arith.muli %arg1, %mul3A_31 : i32
      %get3A_33 = arith.index_cast %mul3A_32 : i32 to index
      %get3A_34 = arith.constant 0 : index
      %get3A_35 = vector.load %arg10[%get3A_33, %get3A_34] : memref<10000x128xf32, #tpu.memory_space<vmem>>, vector<1000x128xf32>
      %sub3A_36 = vector.broadcast %mul3A_17 : vector<1x128xf32> to vector<1000x128xf32>
      %sub3A_37 = arith.subf %get3A_35, %sub3A_36 : vector<1000x128xf32>
      %mul3A_38 = vector.broadcast %mul3A_30 : vector<1x128xf32> to vector<1000x128xf32>
      %mul3A_39 = arith.mulf %sub3A_37, %mul3A_38 : vector<1000x128xf32>
      %get3A_40 = arith.constant 0 : index
      %get3A_41 = arith.constant 0 : index
      %get3A_42 = vector.load %arg7[%get3A_40, %get3A_41] : memref<1x128xf32, #tpu.memory_space<vmem>>, vector<1x128xf32>
      %add3A_43 = vector.broadcast %get3A_42 : vector<1x128xf32> to vector<1000x128xf32>
      %add3A_44 = arith.addf %mul3A_39, %add3A_43 : vector<1000x128xf32>
      %max3A = arith.constant 0.000000e+00 : f32
      %max3A_45 = vector.broadcast %max3A : f32 to vector<1000x128xf32>
      %max3A_46 = arith.maximumf %add3A_44, %max3A_45 : vector<1000x128xf32>
      %get3A_47 = arith.constant 0 : index
      %get3A_48 = arith.constant 0 : index
      %get3A_49 = vector.load %arg8[%get3A_47, %get3A_48] : memref<1000x128xf32, #tpu.memory_space<vmem>>, vector<1000x128xf32>
      %add3A_50 = arith.addf %max3A_46, %get3A_49 : vector<1000x128xf32>
      %swap3A = arith.constant 0 : index
      %swap3A_51 = arith.constant 0 : index
      %swap3A_52 = vector.load %arg9[%swap3A, %swap3A_51] : memref<1000x128xf32, #tpu.memory_space<vmem>>, vector<1000x128xf32>
      tpu.vector_store %arg9[%swap3A, %swap3A_51], %add3A_50 {strides = array<i32>} : memref<1000x128xf32, #tpu.memory_space<vmem>>, vector<1000x128xf32>,
    } else {
    }
    return
  }
  func.func @transform_0(%arg0: i32, %arg1: i32) -> (i32, i32, i32) {
    %c0_i32 = arith.constant 0 : i32
    %c0_i32_0 = arith.constant 0 : i32
    %c0_i32_1 = arith.constant 0 : i32
    return %c0_i32, %arg1, %c0_i32_0 : i32, i32, i32
  }
  func.func @transform_1(%arg0: i32, %arg1: i32) -> (i32, i32) {
    %c0_i32 = arith.constant 0 : i32
    %c0_i32_0 = arith.constant 0 : i32
    return %arg1, %c0_i32 : i32, i32
  }
  func.func @transform_2(%arg0: i32, %arg1: i32) -> (i32, i32, i32) {
    %c0_i32 = arith.constant 0 : i32
    %c0_i32_0 = arith.constant 0 : i32
    %c0_i32_1 = arith.constant 0 : i32
    return %c0_i32, %arg1, %c0_i32_0 : i32, i32, i32
  }
  func.func @transform_3(%arg0: i32, %arg1: i32) -> (i32, i32) {
    %c0_i32 = arith.constant 0 : i32
    %c0_i32_0 = arith.constant 0 : i32
    %c0_i32_1 = arith.constant 0 : i32
    return %c0_i32, %c0_i32_0 : i32, i32
  }
  func.func @transform_4(%arg0: i32, %arg1: i32) -> (i32, i32) {
    %c0_i32 = arith.constant 0 : i32
    %c0_i32_0 = arith.constant 0 : i32
    %c0_i32_1 = arith.constant 0 : i32
    return %c0_i32, %c0_i32_0 : i32, i32
  }
  func.func @transform_5(%arg0: i32, %arg1: i32) -> (i32, i32) {
    %c0_i32 = arith.constant 0 : i32
    %c0_i32_0 = arith.constant 0 : i32
    %c0_i32_1 = arith.constant 0 : i32
    return %c0_i32, %c0_i32_0 : i32, i32
  }
  func.func @transform_6(%arg0: i32, %arg1: i32) -> (i32, i32) {
    %c0_i32 = arith.constant 0 : i32
    %c0_i32_0 = arith.constant 0 : i32
    return %arg1, %c0_i32 : i32, i32
  }
  func.func @transform_7(%arg0: i32, %arg1: i32) -> (i32, i32) {
    %c0_i32 = arith.constant 0 : i32
    %c0_i32_0 = arith.constant 0 : i32
    return %arg1, %c0_i32 : i32, i32
  }
}

</mosaic_0001>

<sc_bundles>
// kernel: kernel.10.cloned.1.call-start
scs
__scs_entry_jumppad:
0x0: {  	(pc) =	sbr.rel $0x88, $3  }
0x1: {  	(tag) =	ssettag $0x0;
	lr =	simm.s32 $0x1  }
0x2: {  	[smem:$0x3F9B] =	sst lr;
	_ =	strace $0xD0000000  }
0x3: {  	_ = 	snop  }
0x4: {  	_ = 	snop  }
0x5: {  	_ = 	snop  }
0x6: {  	_ = 	snop  }
0x7: {  	_ = 	snop  }
__scs_overlays_trampoline_lowered:
0x8: {  	[smem:$0x3FAA] =	sst s0  }
0x9: {  	[smem:$0x3FAB] =	sst s1  }
0xa: {  	[smem:$0x3FAC] =	sst s2  }
0xb: {  	[smem:$0x3FAD] =	sst s3  }
0xc: {  	[smem:$0x3FAE] =	sst s4  }
0xd: {  	[smem:$0x3FAF] =	sst s5  }
0xe: {  	[smem:$0x3FB0] =	sst s6  }
0xf: {  	[smem:$0x3FB1] =	sst s7  }
0x10: {  	[smem:$0x3FB2] =	sst s8  }
0x11: {  	[smem:$0x3FB3] =	sst s9;
	s0 =	simm.s32 @!p0 $0x0  }
0x12: {  	s1 =	sld [smem:$0x3F99];
	s0 =	simm.s32 @p0 $0x1  }
0x13: {  	[smem:$0x3FB4] =	sst s0;
	s0 =	simm.s32 @!p1 $0x0  }
0x14: {  	s2 =	sld [smem:$0x3F98];
	s0 =	simm.s32 @p1 $0x1  }
0x15: {  	[smem:$0x3FB5] =	sst s0;
	s0 =	simm.s32 @!p2 $0x0  }
0x16: {  	s3 =	sld [smem:$0x3FDB];
	s0 =	simm.s32 @p2 $0x1  }
0x17: {  	s4 =	simm.s32 $0x1BF5;
	[smem:$0x3FB7] =	sst s0  }
0x18: {  	s0 =	sld [smem:$0x3F9A];
	_ =	swait.ge [sflag:s4], $0x0  }
0x19: {  	s7 =	sld [smem:$0x3F9B]  }
0x1a: {  	s8 =	sadd.s32 $0xFFFFE003, lr  }
0x1b: {  	s9 =	sadd.s32 $0xFFFFFEF7, lr;
	s5 =	simm.s32 $0xFFFFFFFF;
	p2 =	slt.u32 s8, $0xFFFFF086  }
0x1c: {  	p1 =	slt.u32 s9, $0xF7A;
	s5 =	simm.s32 @!p2 $0x0  }
0x1d: {  	s5 =	simm.s32 @p1 $0x1;
	p0 =	seq.s32 s7, s2  }
0x1e: {  	s7 =	smul.u32 @!p0 $0xF7A, s2;
	p2 =	seq.s32 @!p0 s5, $0x0  }
0x1f: {  	s9 =	smul.u32 $0xF7A, s1;
	s8 =	simm.s32 @!p0 $0x1BF5;
	p2 =	por !p2, p0  }
0x20: {  	[sflag:s8] =	ssyncset.s32 @!p0 $0xFFFFF086;
	s6 =	sadd.s32 @!p0 s3, s7;
	s7 =	simm.s32 @!p0 $0x108  }
0x21: {  	s3 =	sadd.s32 s3, s9;
	s6 =	sadd.s32 @!p0 $0x88, s6;
	s7 =	simm.s32 @p2 $0x1082  }
0x22: {  	[simem:s7], [sflag:s8] =	dma.local @!p0 [hbm:s6], $0xF7A  }
0x23: {  	s9 =	sor.u32 $0xD0000000, s2;
	s6 =	simm.s32 $0x108;
	_ =	swait.ge @!p0 [sflag:s8], $0x0  }
0x24: {  	s3 =	sadd.s32 $0x88, s3;
	s6 =	simm.s32 @!p1 $0x1082;
	[sflag:s4] =	ssyncset.s32 $0xFFFFF086  }
0x25: {  	[simem:s6], [sflag:s4] =	dma.local [hbm:s3], $0xF7A  }
0x26: {  	[smem:$0x3F9B] =	sst s1;
	(tag) =	ssettag s2;
	_ =	strace s9  }
0x27: {  	s1 =	sld [smem:$0x3FAB]  }
0x28: {  	s2 =	sld [smem:$0x3FAC]  }
0x29: {  	s4 =	sld [smem:$0x3FAE]  }
0x2a: {  	p0 =	seq.s32 s5, $0x0;
	s5 =	sld [smem:$0x3FAF]  }
0x2b: {  	s6 =	sld [smem:$0x3FB0]  }
0x2c: {  	s7 =	sld [smem:$0x3FB1]  }
0x2d: {  	s3 =	simm.s32 $0x108;
	s8 =	sld [smem:$0x3FB2]  }
0x2e: {  	s3 =	simm.s32 @!p0 $0x1082;
	s9 =	sld [smem:$0x3FB3]  }
0x2f: {  	lr =	sadd.s32 s0, s3;
	s0 =	sld [smem:$0x3FAA]  }
0x30: {  	s3 =	sld [smem:$0x3FAD]  }
0x31: {  	[smem:$0x3FB6] =	sst s10  }
0x32: {  	s10 =	sld [smem:$0x3FB4];
	_ =	sdelay $0x3  }
0x33: {  	p0 =	seq.s32 s10, $0x1;
	s10 =	sld [smem:$0x3FB6];
	_ =	sdelay $0x3  }
0x34: {  	[smem:$0x3FB6] =	sst s10  }
0x35: {  	s10 =	sld [smem:$0x3FB5];
	_ =	sdelay $0x3  }
0x36: {  	p1 =	seq.s32 s10, $0x1;
	s10 =	sld [smem:$0x3FB6];
	_ =	sdelay $0x3  }
0x37: {  	[smem:$0x3FB6] =	sst s10  }
0x38: {  	s10 =	sld [smem:$0x3FB7]  }
0x39: {  	_ = 	snop;
	(pc) =	sbr.ind lr, $3  }
0x3a: {  	_ = 	snop  }
0x3b: {  	_ = 	snop  }
0x3c: {  	p2 =	seq.s32 s10, $0x1;
	s10 =	sld [smem:$0x3FB6]  }
0x3d: {  	_ =	shalt  }
0x3e: {  	_ =	shalt  }
0x3f: {  	_ =	shalt  }
0x40: {  	_ =	shalt  }
0x41: {  	_ =	shalt  }
0x42: {  	_ =	shalt  }
0x43: {  	_ =	shalt  }
0x44: {  	_ =	shalt  }
0x45: {  	_ =	shalt  }
0x46: {  	_ =	shalt  }
0x47: {  	_ =	shalt  }
0x48: {  	_ =	shalt  }
0x49: {  	_ =	shalt  }
0x4a: {  	_ =	shalt  }
0x4b: {  	_ =	shalt  }
0x4c: {  	_ =	shalt  }
0x4d: {  	_ =	shalt  }
0x4e: {  	_ =	shalt  }
0x4f: {  	_ =	shalt  }
0x50: {  	_ =	shalt  }
0x51: {  	_ =	shalt  }
0x52: {  	_ =	shalt  }
0x53: {  	_ =	shalt  }
0x54: {  	_ =	shalt  }
0x55: {  	_ =	shalt  }
0x56: {  	_ =	shalt  }
0x57: {  	_ =	shalt  }
0x58: {  	_ =	shalt  }
0x59: {  	_ =	shalt  }
0x5a: {  	_ =	shalt  }
0x5b: {  	_ =	shalt  }
0x5c: {  	_ =	shalt  }
0x5d: {  	_ =	shalt  }
0x5e: {  	_ =	shalt  }
0x5f: {  	_ =	shalt  }
0x60: {  	_ =	shalt  }
0x61: {  	_ =	shalt  }
0x62: {  	_ =	shalt  }
0x63: {  	_ =	shalt  }
0x64: {  	_ =	shalt  }
0x65: {  	_ =	shalt  }
0x66: {  	_ =	shalt  }
0x67: {  	_ =	shalt  }
0x68: {  	_ =	shalt  }
0x69: {  	_ =	shalt  }
0x6a: {  	_ =	shalt  }
0x6b: {  	_ =	shalt  }
0x6c: {  	_ =	shalt  }
0x6d: {  	_ =	shalt  }
0x6e: {  	_ =	shalt  }
0x6f: {  	_ =	shalt  }
0x70: {  	_ =	shalt  }
0x71: {  	_ =	shalt  }
0x72: {  	_ =	shalt  }
0x73: {  	_ =	shalt  }
0x74: {  	_ =	shalt  }
0x75: {  	_ =	shalt  }
0x76: {  	_ =	shalt  }
0x77: {  	_ =	shalt  }
0x78: {  	_ =	shalt  }
0x79: {  	_ =	shalt  }
0x7a: {  	_ =	shalt  }
0x7b: {  	_ =	shalt  }
0x7c: {  	_ =	shalt  }
0x7d: {  	_ =	shalt  }
0x7e: {  	_ =	shalt  }
0x7f: {  	_ =	shalt  }
0x80: {  	_ =	shalt  }
0x81: {  	_ =	shalt  }
0x82: {  	_ =	shalt  }
0x83: {  	_ =	shalt  }
0x84: {  	_ =	shalt  }
0x85: {  	_ =	shalt  }
0x86: {  	_ =	shalt  }
0x87: {  	_ =	shalt  }
.Lfunc_end0:
.L_simem_size_0:
called_computation.1_lowered:
.L_overlay_start_0:
0x88: {  	s2 =	sld [smem:$0x3FD9]  }
0x89: {  	s3 =	sld [smem:$0x3FFE];
	_ =	sdelay $0x1  }
0x8a: {  	s1 =	srdreg.scid  }
0x8b: {  	s0 =	sand.u32 $0x1, s1  }
0x8c: {  	s17 =	sshll.u32 s0, $0xA;
	s2 =	sadd.s32 s3, s2  }
0x8d: {  	s2 =	sadd.s32 s2, s17  }
0x8e: {  	[smem:$0x3FC2] =	sst s2  }
0x8f: {  	_ = 	snop  }
0x90: {  	s2 =	sld [smem:$0x3FD0];
	(tm) =	ssettm $0x1  }
0x91: {  	s18 =	sld [smem:$0x3FFB];
	_ =	sdelay $0x3  }
0x92: {  	_ =	strace s18  }
0x93: {  	s3 =	sld [smem:$0x3FFC];
	_ =	sdelay $0x3  }
0x94: {  	_ =	strace s3  }
0x95: {  	s3 =	sld [smem:$0x3FFD];
	_ =	sdelay $0x3  }
0x96: {  	_ =	strace s3  }
0x97: {  	_ =	strace $0x8FFFFFFF  }
0x98: {  	s19 =	sld [smem:$0x3FDB];
	_ =	sdelay $0x1  }
0x99: {  	s4 =	simm.s32 $_scs_section_size  }
0x9a: {  	s5 =	simm.s32 $_size__tile_overlayer_lowered;
	s6 =	simm.s32 $_tile_overlayer_lowered  }
0x9b: {  	s22 =	simm.s32 $0x1BFF;
	s21 =	sshll.u32 s6, $0x1;
	s3 =	sadd.s32 s4, s19  }
0x9c: {  	s7 =	simm.s32 $0x0;
	s20 =	sshll.u32 s5, $0x1;
	s5 =	sadd.s32 s21, s3  }
0x9d: {  	[timem:s7], [sflag:s22] =	dma.local [hbm:s5], s20  }
0x9e: {  	_ =	swait.ge [sflag:s22], s20  }
0x9f: {  	s4 =	ssub.s32 $0x0, s20;
	[sflag:s22] =	ssyncset.done $0x0  }
0xa0: {  	[sflag:s22] =	ssyncadd.s32 s4;
	_ =	sdelay $0x1  }
0xa1: {  	s23 =	simm.s32 $0x1B8B  }
0xa2: {  	_ =	swait.ge [sflag:s23], $0x1  }
0xa3: {  	[sflag:s23] =	ssyncset.done $0x0  }
0xa4: {  	s25 =	simm.s32 $0x1B8E;
	s24 =	sld [smem:$0x3FFE];
	[sflag:s23] =	ssyncadd.s32 $0xFFFFFFFF  }
0xa5: {  	s26 =	simm.s32 $execute0_lowered;
	[smem:$0x3FD2] =	sst s25  }
0xa6: {  	s5 =	sshll.u32 s26, $0x1;
	_ =	strace $0x80000049;
	[dreg:$0x1] =	wrdreg $0xFFFFFFFF  }
0xa7: {  	s28 =	simm.s32 $_size_execute0_lowered;
	s3 =	sadd.s32 s3, s5;
	[dreg:$0x0] =	wrdreg $0x0  }
0xa8: {  	s5 =	sshll.u32 s28, $0x1;
	[dreg:$0x2] =	wrdreg s3  }
0xa9: {  	[dreg:$0x3] =	wrdreg s5  }
0xaa: {  	[dreg:$0x4] =	wrdreg $0xC0  }
0xab: {  	_ =	task [dreg:s7], $0x5FFFF  }
0xac: {  	[dreg:$0x1] =	wrdreg $0xFFFFFFFF  }
0xad: {  	[dreg:$0x0] =	wrdreg $0x60  }
0xae: {  	[dreg:$0x2] =	wrdreg s2  }
0xaf: {  	[dreg:$0x3] =	wrdreg s24  }
0xb0: {  	[dreg:$0x4] =	wrdreg $0xA8000  }
0xb1: {  	[dreg:$0x5] =	wrdreg $0x9  }
0xb2: {  	_ =	task.clear_ibuf [dreg:s7], $0x6FFFF;
	_ =	strace $0x90000049  }
0xb3: {  	s29 =	simm.s32 $0x9;
	_ =	strace $0x8000004B  }
0xb4: {  	_ =	swait.ge [sflag:s29], $0x1  }
0xb5: {  	[sflag:s29] =	ssyncadd.s32 $0xFFFFFFFF  }
0xb6: {  	_ =	strace $0x9000004B  }
0xb7: {  	_ =	sfence  }
0xb8: {  	s30 =	sld [smem:$0x0];
	_ =	sdelay $0x2  }
0xb9: {  	s31 =	sshll.u32 s1, $0xD;
	s1 =	sshrl.u32 s1, $0x2  }
0xba: {  	s3 =	sand.u32 $0x4000, s31;
	s1 =	sadd.s32 s1, s30  }
0xbb: {  	s0 =	sor.u32 s3, s0;
	s1 =	sshll.u32 s1, $0x11  }
0xbc: {  	s0 =	sor.u32 s1, s0  }
0xbd: {  	s0 =	sadd.s32 $0x8F2B, s0  }
0xbe: {  	[sflag:s0] =	ssyncadd.remote.s32 $0x1  }
0xbf: {  	_ =	sfence.sel $0xFFFF  }
0xc0: {  	[dreg:$0x0] =	wrdreg $0xFFFFFFFF;
	(pc) =	sbr.abs _section_cstart, $3  }
0xc1: {  	[dreg:$0x1] =	wrdreg $0xFFFFFFFF  }
0xc2: {  	_ =	task.clear_ibuf [dreg:s7], $0x2FFFF;
	_ =	strace $0x9FFFFFFF  }
0xc3: {  	(tm) =	ssettm $0x7FFFFFFF  }
tec
execute0_lowered:
.L_overlay_start_1:
0x0: {  	(tag) =	ssettag $0x1  }
0x1: {  	s1 =	rddreg [dreg:$0x0]  }
0x2: {  	s0 =	rddreg [dreg:$0x1]  }
0x3: {  	s2 =	rddreg [dreg:$0x2];
	s3 =	simm.s32 $0x0  }
0x4: {  	s5 =	srdreg.scid;
	s4 =	stileid.u32;
	s22 =	simm.s32 $0x1400  }
0x5: {  	s23 =	simm.s32 $0x80;
	s24 =	simm.s32 $0x6800;
	s25 =	simm.s32 $0x1  }
0x6: {  	s28 =	simm.s32 $0x2700;
	s29 =	simm.s32 $0x2780;
	s30 =	simm.s32 $0x0  }
0x7: {  	[smem:$0x7FF] =	sst s3;
	s12 =	sadd.s32 $0xC000, s0;
	s9 =	sand.u32 $0x1, s5  }
0x8: {  	s13 =	sadd.s32 $0x2000, s0;
	s6 =	smul.u32 $0x50000, s4;
	s0 =	sadd.s32 $0x66000, s0  }
0x9: {  	s14 =	smul.u32 $0x14000, s4;
	_ =	strace $0x8000004A;
	s5 =	ssub.s32 $0x2, s9  }
0xa: {  	s26 =	sshll.u32 s9, $0x4;
	s21 =	smul.u32 $0x140000, s9;
	s7 =	sshrl.u32 s5, $0x1  }
0xb: {  	s6 =	sshrl.u32 s6, $0x2;
	s8 =	sor.u32 s4, s26;
	s15 =	sadd.s32 $0x4000, s14  }
0xc: {  	s16 =	sadd.s32 $0x8000, s14;
	s17 =	sadd.s32 $0xC000, s14;
	s20 =	sadd.s32 $0x10000, s14  }
0xd: {  	s26 =	simm.s32 $0x2;
	s19 =	ssub.s32 s5, s7;
	s5 =	sadd.s32 s6, s2  }
0xe: {  	s6 =	sadd.s32 s15, s2;
	s11 =	smul.u32 $0x500, s8;
	s7 =	sadd.s32 s16, s2  }
0xf: {  	s18 =	smul.u32 $0x2800, s8;
	s8 =	sadd.s32 s17, s2;
	s9 =	sadd.s32 s20, s2  }
0x10: {  	s14 =	sadd.s32 s14, s21;
	s15 =	sadd.s32 s21, s15;
	s16 =	sadd.s32 s21, s16  }
0x11: {  	s17 =	sadd.s32 s21, s17;
	s31 =	sadd.s32 s21, s20;
	s20 =	simm.s32 $0x2800  }
0x12: {  	s21 =	simm.s32 $0x3;
	s14 =	sshrl.u32 s14, $0x3;
	s15 =	sshrl.u32 s15, $0x3  }
0x13: {  	s16 =	sshrl.u32 s16, $0x3;
	s17 =	sshrl.u32 s17, $0x3;
	s19 =	smax.u32 s19, $0x1  }
0x14: {  	s10 =	sadd.s32 s12, s11;
	s18 =	sshrl.u32 s18, $0x3;
	s11 =	sadd.s32 s13, s11  }
0x15: {  	s14 =	sadd.s32 s0, s14;
	s15 =	sadd.s32 s0, s15;
	s18 =	sadd.s32 $0x280, s18  }
0x16: {  	s12 =	sadd.s32 s12, s18;
	s13 =	sadd.s32 s13, s18;
	s18 =	sshrl.u32 s31, $0x3  }
0x17: {  	v0 =	vimm.f32 $0.0e+00;
	s16 =	sadd.s32 s0, s16;
	s17 =	sadd.s32 s0, s17;
	s18 =	sadd.s32 s0, s18  }
.LBB2_1:
0x18: {  	s31 =	simm.s32 $0x0;
	s0 =	simm.s32 $0x200  }
.LBB2_2:
0x19: {  	p0 =	sne.s32 s0, $0xFE00;
	[tilespmem:s31+$0x2870] =	vst v0  }
0x1a: {  	[tilespmem:s31+$0x2800] =	vst v0  }
0x1b: {  	[tilespmem:s31+$0x2810] =	vst v0  }
.Ltmp0:
0x1c: {  	[tilespmem:s31+$0x2820] =	vst v0;
	(pc) =	sbr.rel @p0 .LBB2_2-.Ltmp0, $4  }
0x1d: {  	[tilespmem:s31+$0x2830] =	vst v0  }
0x1e: {  	[tilespmem:s31+$0x2840] =	vst v0  }
0x1f: {  	[tilespmem:s31+$0x2850] =	vst v0  }
0x20: {  	[tilespmem:s31+$0x2860] =	vst v0;
	s31 =	sshra.s32 s0, $0x2;
	s0 =	sadd.s32 $0x200, s0  }
0x21: {  	[tilespmem:s31+$0x2870] =	vst v0  }
0x22: {  	[tilespmem:s31+$0x2800] =	vst v0  }
0x23: {  	[tilespmem:s31+$0x2810] =	vst v0  }
0x24: {  	[tilespmem:s31+$0x2820] =	vst v0  }
0x25: {  	[tilespmem:s31+$0x2830] =	vst v0  }
0x26: {  	[tilespmem:s31+$0x2840] =	vst v0  }
0x27: {  	[tilespmem:s31+$0x2850] =	vst v0  }
0x28: {  	[tilespmem:s31+$0x2860] =	vst v0  }
0x29: {  	[spmem:s5] =	stream.linear.scatter [tilespmem:s20], [sflag:$0x3], $0x4000, $0x38;
	[tilespmem:$0x1E800] =	vst v63  }
0x2a: {  	_ =	swait.ge [sflag:s21], $0x4000  }
0x2b: {  	[sflag:s21] =	ssyncset.done $0x0  }
0x2c: {  	[sflag:s21] =	ssyncadd.s32 $0xFFFFC000  }
0x2d: {  	[spmem:s6] =	stream.linear.scatter [tilespmem:s20], [sflag:$0x3], $0x4000, $0x38;
	[tilespmem:$0x1E800] =	vst v63  }
0x2e: {  	_ =	swait.ge [sflag:s21], $0x4000  }
0x2f: {  	[sflag:s21] =	ssyncset.done $0x0  }
0x30: {  	[sflag:s21] =	ssyncadd.s32 $0xFFFFC000  }
0x31: {  	[spmem:s7] =	stream.linear.scatter [tilespmem:s20], [sflag:$0x3], $0x4000, $0x38;
	[tilespmem:$0x1E800] =	vst v63  }
0x32: {  	_ =	swait.ge [sflag:s21], $0x4000  }
0x33: {  	[sflag:s21] =	ssyncset.done $0x0  }
0x34: {  	[sflag:s21] =	ssyncadd.s32 $0xFFFFC000  }
0x35: {  	[spmem:s8] =	stream.linear.scatter [tilespmem:s20], [sflag:$0x3], $0x4000, $0x38;
	[tilespmem:$0x1E800] =	vst v63  }
0x36: {  	_ =	swait.ge [sflag:s21], $0x4000  }
0x37: {  	[sflag:s21] =	ssyncset.done $0x0  }
0x38: {  	[sflag:s21] =	ssyncadd.s32 $0xFFFFC000  }
0x39: {  	[spmem:s9] =	stream.linear.scatter [tilespmem:s20], [sflag:$0x3], $0x4000, $0x38;
	[tilespmem:$0x1E800] =	vst v63  }
0x3a: {  	_ =	swait.ge [sflag:s21], $0x4000  }
0x3b: {  	[sflag:s21] =	ssyncset.done $0x0  }
0x3c: {  	[sflag:s21] =	ssyncadd.s32 $0xFFFFC000  }
0x3d: {  	s0 =	simm.s32 $0x0;
	[bflag:$0x0] =	sbarrier.arrive $0xFFFF  }
0x3e: {  	[tilespmem:s0], [sflag:$0x3] =	stream.linear.gather [hbm4b:s10+s0], $0x1400, $0x38;
	[tilespmem:$0x1E800] =	vst v63  }
0x3f: {  	_ =	swait.ge [sflag:s21], $0x1400  }
0x40: {  	[sflag:s21] =	ssyncset.done $0x0  }
0x41: {  	[sflag:s21] =	ssyncadd.s32 $0xFFFFEC00  }
0x42: {  	[tilespmem:s22], [sflag:$0x3] =	stream.linear.gather [hbm4b:s11+s0], $0x1400, $0x38;
	[tilespmem:$0x1E800] =	vst v63  }
0x43: {  	_ =	swait.ge [sflag:s21], $0x1400  }
0x44: {  	[sflag:s21] =	ssyncset.done $0x0  }
0x45: {  	[sflag:s21] =	ssyncadd.s32 $0xFFFFEC00  }
0x46: {  	[tilespmem:s20], [sflag:$0x1] =	stream.indirect.gather [hbm4b:s1+s23], $0x80, s0, s23, $0xb8;
	[tilespmem:$0x1E800] =	vst v63  }
0x47: {  	_ = 	snop  }
0x48: {  	[tilespmem:s24], [sflag:$0x2] =	stream.indirect.gather [hbm4b:s1+s23], $0x80, s23, s23, $0xb8;
	[tilespmem:$0x1E800] =	vst v63  }
0x49: {  	_ =	swait.ge [sflag:s25], $0x4000  }
0x4a: {  	[sflag:s25] =	ssyncset.done $0x0  }
0x4b: {  	s4 =	simm.s32 $0x1400;
	[sflag:s25] =	ssyncadd.s32 $0xFFFFC000  }
0x4c: {  	[spmem:s2] =	stream.indirect.scatter.add.f32 [tilespmem:s20], [sflag:$0x3], $0x80, s4, s23, $0xb8;
	[tilespmem:$0x1E800] =	vst v63  }
0x4d: {  	_ =	swait.ge [sflag:s21], $0x4000  }
0x4e: {  	[sflag:s21] =	ssyncset.done $0x0  }
0x4f: {  	s4 =	simm.s32 $0x100;
	[sflag:s21] =	ssyncadd.s32 $0xFFFFC000  }
0x50: {  	[tilespmem:s20], [sflag:$0x1] =	stream.indirect.gather [hbm4b:s1+s23], $0x80, s4, s23, $0xb8;
	[tilespmem:$0x1E800] =	vst v63  }
0x51: {  	_ =	swait.ge [sflag:s26], $0x4000  }
0x52: {  	[sflag:s26] =	ssyncset.done $0x0  }
0x53: {  	s4 =	simm.s32 $0x1480;
	[sflag:s26] =	ssyncadd.s32 $0xFFFFC000  }
0x54: {  	[spmem:s2] =	stream.indirect.scatter.add.f32 [tilespmem:s24], [sflag:$0x3], $0x80, s4, s23, $0xb8;
	[tilespmem:$0x1E800] =	vst v63  }
0x55: {  	_ =	swait.ge [sflag:s21], $0x4000  }
0x56: {  	[sflag:s21] =	ssyncset.done $0x0  }
0x57: {  	s31 =	simm.s32 $0x400;
	s0 =	simm.s32 $0x180;
	[sflag:s21] =	ssyncadd.s32 $0xFFFFC000  }
.LBB2_4:
0x58: {  	[tilespmem:s24], [sflag:$0x2] =	stream.indirect.gather [hbm4b:s1+s23], $0x80, s0, s23, $0xb8;
	[tilespmem:$0x1E800] =	vst v63  }
0x59: {  	s0 =	smov.u32 s31  }
0x5a: {  	p0 =	sne.s32 s31, $0x4800;
	s31 =	sadd.s32 $0x400, s31;
	_ =	swait.ge [sflag:s25], $0x4000  }
0x5b: {  	s0 =	sshra.s32 s0, $0x2;
	[sflag:s25] =	ssyncset.done $0x0  }
0x5c: {  	s4 =	sadd.s32 $0x1400, s0;
	[sflag:s25] =	ssyncadd.s32 $0xFFFFC000  }
0x5d: {  	[spmem:s2] =	stream.indirect.scatter.add.f32 [tilespmem:s20], [sflag:$0x3], $0x80, s4, s23, $0xb8;
	[tilespmem:$0x1E800] =	vst v63  }
0x5e: {  	_ =	swait.ge [sflag:s21], $0x4000  }
0x5f: {  	[sflag:s21] =	ssyncset.done $0x0  }
0x60: {  	s4 =	sadd.s32 $0x100, s0;
	[sflag:s21] =	ssyncadd.s32 $0xFFFFC000  }
0x61: {  	[tilespmem:s20], [sflag:$0x1] =	stream.indirect.gather [hbm4b:s1+s23], $0x80, s4, s23, $0xb8;
	[tilespmem:$0x1E800] =	vst v63  }
0x62: {  	_ =	swait.ge [sflag:s26], $0x4000  }
0x63: {  	[sflag:s26] =	ssyncset.done $0x0  }
.Ltmp1:
0x64: {  	s4 =	sadd.s32 $0x1480, s0;
	[sflag:s26] =	ssyncadd.s32 $0xFFFFC000;
	(pc) =	sbr.rel @p0 .LBB2_4-.Ltmp1, $4  }
0x65: {  	[spmem:s2] =	stream.indirect.scatter.add.f32 [tilespmem:s24], [sflag:$0x3], $0x80, s4, s23, $0xb8;
	[tilespmem:$0x1E800] =	vst v63  }
0x66: {  	_ =	swait.ge [sflag:s21], $0x4000  }
0x67: {  	[sflag:s21] =	ssyncset.done $0x0  }
0x68: {  	s0 =	sadd.s32 $0x180, s0;
	[sflag:s21] =	ssyncadd.s32 $0xFFFFC000  }
0x69: {  	[tilespmem:s24], [sflag:$0x2] =	stream.indirect.gather [hbm4b:s1+s23], $0x80, s0, s23, $0xb8;
	[tilespmem:$0x1E800] =	vst v63  }
0x6a: {  	_ =	swait.ge [sflag:s25], $0x4000  }
0x6b: {  	[sflag:s25] =	ssyncset.done $0x0  }
0x6c: {  	[sflag:s25] =	ssyncadd.s32 $0xFFFFC000  }
0x6d: {  	[spmem:s2] =	stream.indirect.scatter.add.f32 [tilespmem:s20], [sflag:$0x3], $0x80, s28, s23, $0xb8;
	[tilespmem:$0x1E800] =	vst v63  }
0x6e: {  	_ =	swait.ge [sflag:s21], $0x4000  }
0x6f: {  	[sflag:s21] =	ssyncset.done $0x0  }
0x70: {  	[sflag:s21] =	ssyncadd.s32 $0xFFFFC000  }
0x71: {  	_ =	swait.ge [sflag:s26], $0x4000  }
0x72: {  	[sflag:s26] =	ssyncset.done $0x0  }
0x73: {  	[sflag:s26] =	ssyncadd.s32 $0xFFFFC000  }
0x74: {  	[spmem:s2] =	stream.indirect.scatter.add.f32 [tilespmem:s24], [sflag:$0x3], $0x80, s29, s23, $0xb8;
	[tilespmem:$0x1E800] =	vst v63  }
0x75: {  	_ =	swait.ge [sflag:s21], $0x4000  }
0x76: {  	[sflag:s21] =	ssyncset.done $0x0  }
0x77: {  	s4 =	simm.s32 $0x0;
	[sflag:s21] =	ssyncadd.s32 $0xFFFFC000  }
0x78: {  	[tilespmem:s4], [sflag:$0x3] =	stream.linear.gather [hbm4b:s12+s4], $0x1400, $0x38;
	[tilespmem:$0x1E800] =	vst v63  }
0x79: {  	_ =	swait.ge [sflag:s21], $0x1400  }
0x7a: {  	[sflag:s21] =	ssyncset.done $0x0  }
0x7b: {  	[sflag:s21] =	ssyncadd.s32 $0xFFFFEC00  }
0x7c: {  	[tilespmem:s22], [sflag:$0x3] =	stream.linear.gather [hbm4b:s13+s4], $0x1400, $0x38;
	[tilespmem:$0x1E800] =	vst v63  }
0x7d: {  	_ =	swait.ge [sflag:s21], $0x1400  }
0x7e: {  	[sflag:s21] =	ssyncset.done $0x0  }
0x7f: {  	[sflag:s21] =	ssyncadd.s32 $0xFFFFEC00  }
0x80: {  	[tilespmem:s20], [sflag:$0x1] =	stream.indirect.gather [hbm4b:s1+s23], $0x80, s4, s23, $0xb8;
	[tilespmem:$0x1E800] =	vst v63  }
0x81: {  	_ = 	snop  }
0x82: {  	[tilespmem:s24], [sflag:$0x2] =	stream.indirect.gather [hbm4b:s1+s23], $0x80, s23, s23, $0xb8;
	[tilespmem:$0x1E800] =	vst v63  }
0x83: {  	_ =	swait.ge [sflag:s25], $0x4000  }
0x84: {  	[sflag:s25] =	ssyncset.done $0x0  }
0x85: {  	s4 =	simm.s32 $0x1400;
	[sflag:s25] =	ssyncadd.s32 $0xFFFFC000  }
0x86: {  	[spmem:s2] =	stream.indirect.scatter.add.f32 [tilespmem:s20], [sflag:$0x3], $0x80, s4, s23, $0xb8;
	[tilespmem:$0x1E800] =	vst v63  }
0x87: {  	_ =	swait.ge [sflag:s21], $0x4000  }
0x88: {  	[sflag:s21] =	ssyncset.done $0x0  }
0x89: {  	s4 =	simm.s32 $0x100;
	[sflag:s21] =	ssyncadd.s32 $0xFFFFC000  }
0x8a: {  	[tilespmem:s20], [sflag:$0x1] =	stream.indirect.gather [hbm4b:s1+s23], $0x80, s4, s23, $0xb8;
	[tilespmem:$0x1E800] =	vst v63  }
0x8b: {  	_ =	swait.ge [sflag:s26], $0x4000  }
0x8c: {  	[sflag:s26] =	ssyncset.done $0x0  }
0x8d: {  	s4 =	simm.s32 $0x1480;
	[sflag:s26] =	ssyncadd.s32 $0xFFFFC000  }
0x8e: {  	[spmem:s2] =	stream.indirect.scatter.add.f32 [tilespmem:s24], [sflag:$0x3], $0x80, s4, s23, $0xb8;
	[tilespmem:$0x1E800] =	vst v63  }
0x8f: {  	_ =	swait.ge [sflag:s21], $0x4000  }
0x90: {  	[sflag:s21] =	ssyncset.done $0x0  }
0x91: {  	s31 =	simm.s32 $0x400;
	s0 =	simm.s32 $0x180;
	[sflag:s21] =	ssyncadd.s32 $0xFFFFC000  }
.LBB2_6:
0x92: {  	[tilespmem:s24], [sflag:$0x2] =	stream.indirect.gather [hbm4b:s1+s23], $0x80, s0, s23, $0xb8;
	[tilespmem:$0x1E800] =	vst v63  }
0x93: {  	s0 =	smov.u32 s31  }
0x94: {  	p0 =	sne.s32 s31, $0x4800;
	s31 =	sadd.s32 $0x400, s31;
	_ =	swait.ge [sflag:s25], $0x4000  }
0x95: {  	s0 =	sshra.s32 s0, $0x2;
	[sflag:s25] =	ssyncset.done $0x0  }
0x96: {  	s4 =	sadd.s32 $0x1400, s0;
	[sflag:s25] =	ssyncadd.s32 $0xFFFFC000  }
0x97: {  	[spmem:s2] =	stream.indirect.scatter.add.f32 [tilespmem:s20], [sflag:$0x3], $0x80, s4, s23, $0xb8;
	[tilespmem:$0x1E800] =	vst v63  }
0x98: {  	_ =	swait.ge [sflag:s21], $0x4000  }
0x99: {  	[sflag:s21] =	ssyncset.done $0x0  }
0x9a: {  	s4 =	sadd.s32 $0x100, s0;
	[sflag:s21] =	ssyncadd.s32 $0xFFFFC000  }
0x9b: {  	[tilespmem:s20], [sflag:$0x1] =	stream.indirect.gather [hbm4b:s1+s23], $0x80, s4, s23, $0xb8;
	[tilespmem:$0x1E800] =	vst v63  }
0x9c: {  	_ =	swait.ge [sflag:s26], $0x4000  }
0x9d: {  	[sflag:s26] =	ssyncset.done $0x0  }
.Ltmp2:
0x9e: {  	s4 =	sadd.s32 $0x1480, s0;
	[sflag:s26] =	ssyncadd.s32 $0xFFFFC000;
	(pc) =	sbr.rel @p0 .LBB2_6-.Ltmp2, $4  }
0x9f: {  	[spmem:s2] =	stream.indirect.scatter.add.f32 [tilespmem:s24], [sflag:$0x3], $0x80, s4, s23, $0xb8;
	[tilespmem:$0x1E800] =	vst v63  }
0xa0: {  	_ =	swait.ge [sflag:s21], $0x4000  }
0xa1: {  	[sflag:s21] =	ssyncset.done $0x0  }
0xa2: {  	s0 =	sadd.s32 $0x180, s0;
	[sflag:s21] =	ssyncadd.s32 $0xFFFFC000  }
0xa3: {  	[tilespmem:s24], [sflag:$0x2] =	stream.indirect.gather [hbm4b:s1+s23], $0x80, s0, s23, $0xb8;
	[tilespmem:$0x1E800] =	vst v63  }
0xa4: {  	_ =	swait.ge [sflag:s25], $0x4000  }
0xa5: {  	[sflag:s25] =	ssyncset.done $0x0  }
0xa6: {  	[sflag:s25] =	ssyncadd.s32 $0xFFFFC000  }
0xa7: {  	[spmem:s2] =	stream.indirect.scatter.add.f32 [tilespmem:s20], [sflag:$0x3], $0x80, s28, s23, $0xb8;
	[tilespmem:$0x1E800] =	vst v63  }
0xa8: {  	_ =	swait.ge [sflag:s21], $0x4000  }
0xa9: {  	[sflag:s21] =	ssyncset.done $0x0  }
0xaa: {  	[sflag:s21] =	ssyncadd.s32 $0xFFFFC000  }
0xab: {  	_ =	swait.ge [sflag:s26], $0x4000  }
0xac: {  	[sflag:s26] =	ssyncset.done $0x0  }
0xad: {  	[sflag:s26] =	ssyncadd.s32 $0xFFFFC000  }
0xae: {  	[spmem:s2] =	stream.indirect.scatter.add.f32 [tilespmem:s24], [sflag:$0x3], $0x80, s29, s23, $0xb8;
	[tilespmem:$0x1E800] =	vst v63  }
0xaf: {  	_ =	swait.ge [sflag:s21], $0x4000  }
0xb0: {  	[sflag:s21] =	ssyncset.done $0x0  }
0xb1: {  	[sflag:s21] =	ssyncadd.s32 $0xFFFFC000  }
0xb2: {  	[bflag:$0x0] =	sbarrier.arrive $0xFFFF  }
0xb3: {  	[tilespmem:s20], [sflag:$0x3] =	stream.linear.gather [spmem:s5], $0x4000, $0x38;
	[tilespmem:$0x1E800] =	vst v63  }
0xb4: {  	_ =	swait.ge [sflag:s21], $0x4000  }
0xb5: {  	[sflag:s21] =	ssyncset.done $0x0  }
0xb6: {  	[sflag:s21] =	ssyncadd.s32 $0xFFFFC000  }
0xb7: {  	[hbm4b:s14+s3] =	stream.linear.scatter [tilespmem:s20], [sflag:$0x3], $0x4000, $0x38;
	[tilespmem:$0x1E800] =	vst v63  }
0xb8: {  	_ =	swait.ge [sflag:s21], $0x4000  }
0xb9: {  	[sflag:s21] =	ssyncset.done $0x0  }
0xba: {  	[sflag:s21] =	ssyncadd.s32 $0xFFFFC000  }
0xbb: {  	[tilespmem:s20], [sflag:$0x3] =	stream.linear.gather [spmem:s6], $0x4000, $0x38;
	[tilespmem:$0x1E800] =	vst v63  }
0xbc: {  	_ =	swait.ge [sflag:s21], $0x4000  }
0xbd: {  	[sflag:s21] =	ssyncset.done $0x0  }
0xbe: {  	[sflag:s21] =	ssyncadd.s32 $0xFFFFC000  }
0xbf: {  	[hbm4b:s15+s3] =	stream.linear.scatter [tilespmem:s20], [sflag:$0x3], $0x4000, $0x38;
	[tilespmem:$0x1E800] =	vst v63  }
0xc0: {  	_ =	swait.ge [sflag:s21], $0x4000  }
0xc1: {  	[sflag:s21] =	ssyncset.done $0x0  }
0xc2: {  	[sflag:s21] =	ssyncadd.s32 $0xFFFFC000  }
0xc3: {  	[tilespmem:s20], [sflag:$0x3] =	stream.linear.gather [spmem:s7], $0x4000, $0x38;
	[tilespmem:$0x1E800] =	vst v63  }
0xc4: {  	_ =	swait.ge [sflag:s21], $0x4000  }
0xc5: {  	[sflag:s21] =	ssyncset.done $0x0  }
0xc6: {  	[sflag:s21] =	ssyncadd.s32 $0xFFFFC000  }
0xc7: {  	[hbm4b:s16+s3] =	stream.linear.scatter [tilespmem:s20], [sflag:$0x3], $0x4000, $0x38;
	[tilespmem:$0x1E800] =	vst v63  }
0xc8: {  	_ =	swait.ge [sflag:s21], $0x4000  }
0xc9: {  	[sflag:s21] =	ssyncset.done $0x0  }
0xca: {  	[sflag:s21] =	ssyncadd.s32 $0xFFFFC000  }
0xcb: {  	[tilespmem:s20], [sflag:$0x3] =	stream.linear.gather [spmem:s8], $0x4000, $0x38;
	[tilespmem:$0x1E800] =	vst v63  }
0xcc: {  	_ =	swait.ge [sflag:s21], $0x4000  }
0xcd: {  	[sflag:s21] =	ssyncset.done $0x0  }
0xce: {  	[sflag:s21] =	ssyncadd.s32 $0xFFFFC000  }
0xcf: {  	[hbm4b:s17+s3] =	stream.linear.scatter [tilespmem:s20], [sflag:$0x3], $0x4000, $0x38;
	[tilespmem:$0x1E800] =	vst v63  }
0xd0: {  	_ =	swait.ge [sflag:s21], $0x4000  }
0xd1: {  	[sflag:s21] =	ssyncset.done $0x0  }
0xd2: {  	[sflag:s21] =	ssyncadd.s32 $0xFFFFC000  }
0xd3: {  	[tilespmem:s20], [sflag:$0x3] =	stream.linear.gather [spmem:s9], $0x4000, $0x38;
	[tilespmem:$0x1E800] =	vst v63  }
0xd4: {  	s30 =	sadd.s32 $0x1, s30;
	_ =	swait.ge [sflag:s21], $0x4000  }
0xd5: {  	p0 =	sne.s32 s30, s19;
	[sflag:s21] =	ssyncset.done $0x0  }
.Ltmp3:
0xd6: {  	[sflag:s21] =	ssyncadd.s32 $0xFFFFC000;
	(pc) =	sbr.rel @p0 .LBB2_1-.Ltmp3, $4  }
0xd7: {  	[hbm4b:s18+s3] =	stream.linear.scatter [tilespmem:s20], [sflag:$0x3], $0x4000, $0x38;
	[tilespmem:$0x1E800] =	vst v63  }
0xd8: {  	_ =	swait.ge [sflag:s21], $0x4000  }
0xd9: {  	[sflag:s21] =	ssyncset.done $0x0  }
0xda: {  	[sflag:s21] =	ssyncadd.s32 $0xFFFFC000  }
0xdb: {  	_ =	sfence.sel $0x180000  }
0xdc: {  	[bflag:$0x0] =	sbarrier.arrive $0xFFFF  }
0xdd: {  	_ =	strace $0x9000004A  }
0xde: {  	s0 =	stileid.u32;
	[bflag:$0x2] =	sbarrier.arrive $0xFFFF  }
0xdf: {  	p0 =	sne.s32 s0, $0x0;
	s0 =	rddreg [dreg:$0x3]  }
0xe0: {  	s0 =	sadd.s32 @!p0 $0x100000, s0  }
0xe1: {  	[sflag:s0] =	ssyncadd.tile.s32 @!p0 $0x1;
	_ =	shalt  }
.Lfunc_end2:
_tile_overlayer_lowered:
.L_overlay_start_2:
0xe2: {  	(tag) =	ssettag $0x2  }
0xe3: {  	s0 =	rddreg [dreg:$0x0];
	s2 =	stileid.u32  }
0xe4: {  	s1 =	rddreg [dreg:$0x1];
	p0 =	sne.s32 s2, $0x0  }
0xe5: {  	s3 =	rddreg [dreg:$0x2];
	[bflag:$0x3] =	sbarrier.arrive $0xFFFF;
	s2 =	simm.s32 @!p0 $0x1C03  }
0xe6: {  	[timem:s3], [sflag:s2] =	dma.local @!p0 [hbm:s0], s1  }
0xe7: {  	s0 =	simm.s32 @!p0 $0x3  }
0xe8: {  	_ =	swait.ge @!p0 [sflag:s0], s1  }
0xe9: {  	s1 =	ssub.s32 @!p0 $0x0, s1;
	[sflag:s0] =	ssyncset.done @!p0 $0x0  }
0xea: {  	[sflag:s0] =	ssyncadd.s32 @!p0 s1  }
0xeb: {  	[bflag:$0x3] =	sbarrier.arrive $0xFFFF  }
0xec: {  	_ =	shalt  }

// kernel: kernel.7.cloned.1.call-start
scs
__scs_entry_jumppad:
0x0: {  	(pc) =	sbr.rel $0x88, $3  }
0x1: {  	(tag) =	ssettag $0x0;
	lr =	simm.s32 $0x1  }
0x2: {  	[smem:$0x3F9B] =	sst lr;
	_ =	strace $0xD0000000  }
0x3: {  	_ = 	snop  }
0x4: {  	_ = 	snop  }
0x5: {  	_ = 	snop  }
0x6: {  	_ = 	snop  }
0x7: {  	_ = 	snop  }
__scs_overlays_trampoline_lowered:
0x8: {  	[smem:$0x3FAA] =	sst s0  }
0x9: {  	[smem:$0x3FAB] =	sst s1  }
0xa: {  	[smem:$0x3FAC] =	sst s2  }
0xb: {  	[smem:$0x3FAD] =	sst s3  }
0xc: {  	[smem:$0x3FAE] =	sst s4  }
0xd: {  	[smem:$0x3FAF] =	sst s5  }
0xe: {  	[smem:$0x3FB0] =	sst s6  }
0xf: {  	[smem:$0x3FB1] =	sst s7  }
0x10: {  	[smem:$0x3FB2] =	sst s8  }
0x11: {  	[smem:$0x3FB3] =	sst s9;
	s0 =	simm.s32 @!p0 $0x0  }
0x12: {  	s1 =	sld [smem:$0x3F99];
	s0 =	simm.s32 @p0 $0x1  }
0x13: {  	[smem:$0x3FB4] =	sst s0;
	s0 =	simm.s32 @!p1 $0x0  }
0x14: {  	s2 =	sld [smem:$0x3F98];
	s0 =	simm.s32 @p1 $0x1  }
0x15: {  	[smem:$0x3FB5] =	sst s0;
	s0 =	simm.s32 @!p2 $0x0  }
0x16: {  	s3 =	sld [smem:$0x3FDB];
	s0 =	simm.s32 @p2 $0x1  }
0x17: {  	s4 =	simm.s32 $0x1BF5;
	[smem:$0x3FB7] =	sst s0  }
0x18: {  	s0 =	sld [smem:$0x3F9A];
	_ =	swait.ge [sflag:s4], $0x0  }
0x19: {  	s7 =	sld [smem:$0x3F9B]  }
0x1a: {  	s8 =	sadd.s32 $0xFFFFE003, lr  }
0x1b: {  	s9 =	sadd.s32 $0xFFFFFEF7, lr;
	s5 =	simm.s32 $0xFFFFFFFF;
	p2 =	slt.u32 s8, $0xFFFFF086  }
0x1c: {  	p1 =	slt.u32 s9, $0xF7A;
	s5 =	simm.s32 @!p2 $0x0  }
0x1d: {  	s5 =	simm.s32 @p1 $0x1;
	p0 =	seq.s32 s7, s2  }
0x1e: {  	s7 =	smul.u32 @!p0 $0xF7A, s2;
	p2 =	seq.s32 @!p0 s5, $0x0  }
0x1f: {  	s9 =	smul.u32 $0xF7A, s1;
	s8 =	simm.s32 @!p0 $0x1BF5;
	p2 =	por !p2, p0  }
0x20: {  	[sflag:s8] =	ssyncset.s32 @!p0 $0xFFFFF086;
	s6 =	sadd.s32 @!p0 s3, s7;
	s7 =	simm.s32 @!p0 $0x108  }
0x21: {  	s3 =	sadd.s32 s3, s9;
	s6 =	sadd.s32 @!p0 $0x88, s6;
	s7 =	simm.s32 @p2 $0x1082  }
0x22: {  	[simem:s7], [sflag:s8] =	dma.local @!p0 [hbm:s6], $0xF7A  }
0x23: {  	s9 =	sor.u32 $0xD0000000, s2;
	s6 =	simm.s32 $0x108;
	_ =	swait.ge @!p0 [sflag:s8], $0x0  }
0x24: {  	s3 =	sadd.s32 $0x88, s3;
	s6 =	simm.s32 @!p1 $0x1082;
	[sflag:s4] =	ssyncset.s32 $0xFFFFF086  }
0x25: {  	[simem:s6], [sflag:s4] =	dma.local [hbm:s3], $0xF7A  }
0x26: {  	[smem:$0x3F9B] =	sst s1;
	(tag) =	ssettag s2;
	_ =	strace s9  }
0x27: {  	s1 =	sld [smem:$0x3FAB]  }
0x28: {  	s2 =	sld [smem:$0x3FAC]  }
0x29: {  	s4 =	sld [smem:$0x3FAE]  }
0x2a: {  	p0 =	seq.s32 s5, $0x0;
	s5 =	sld [smem:$0x3FAF]  }
0x2b: {  	s6 =	sld [smem:$0x3FB0]  }
0x2c: {  	s7 =	sld [smem:$0x3FB1]  }
0x2d: {  	s3 =	simm.s32 $0x108;
	s8 =	sld [smem:$0x3FB2]  }
0x2e: {  	s3 =	simm.s32 @!p0 $0x1082;
	s9 =	sld [smem:$0x3FB3]  }
0x2f: {  	lr =	sadd.s32 s0, s3;
	s0 =	sld [smem:$0x3FAA]  }
0x30: {  	s3 =	sld [smem:$0x3FAD]  }
0x31: {  	[smem:$0x3FB6] =	sst s10  }
0x32: {  	s10 =	sld [smem:$0x3FB4];
	_ =	sdelay $0x3  }
0x33: {  	p0 =	seq.s32 s10, $0x1;
	s10 =	sld [smem:$0x3FB6];
	_ =	sdelay $0x3  }
0x34: {  	[smem:$0x3FB6] =	sst s10  }
0x35: {  	s10 =	sld [smem:$0x3FB5];
	_ =	sdelay $0x3  }
0x36: {  	p1 =	seq.s32 s10, $0x1;
	s10 =	sld [smem:$0x3FB6];
	_ =	sdelay $0x3  }
0x37: {  	[smem:$0x3FB6] =	sst s10  }
0x38: {  	s10 =	sld [smem:$0x3FB7]  }
0x39: {  	_ = 	snop;
	(pc) =	sbr.ind lr, $3  }
0x3a: {  	_ = 	snop  }
0x3b: {  	_ = 	snop  }
0x3c: {  	p2 =	seq.s32 s10, $0x1;
	s10 =	sld [smem:$0x3FB6]  }
0x3d: {  	_ =	shalt  }
0x3e: {  	_ =	shalt  }
0x3f: {  	_ =	shalt  }
0x40: {  	_ =	shalt  }
0x41: {  	_ =	shalt  }
0x42: {  	_ =	shalt  }
0x43: {  	_ =	shalt  }
0x44: {  	_ =	shalt  }
0x45: {  	_ =	shalt  }
0x46: {  	_ =	shalt  }
0x47: {  	_ =	shalt  }
0x48: {  	_ =	shalt  }
0x49: {  	_ =	shalt  }
0x4a: {  	_ =	shalt  }
0x4b: {  	_ =	shalt  }
0x4c: {  	_ =	shalt  }
0x4d: {  	_ =	shalt  }
0x4e: {  	_ =	shalt  }
0x4f: {  	_ =	shalt  }
0x50: {  	_ =	shalt  }
0x51: {  	_ =	shalt  }
0x52: {  	_ =	shalt  }
0x53: {  	_ =	shalt  }
0x54: {  	_ =	shalt  }
0x55: {  	_ =	shalt  }
0x56: {  	_ =	shalt  }
0x57: {  	_ =	shalt  }
0x58: {  	_ =	shalt  }
0x59: {  	_ =	shalt  }
0x5a: {  	_ =	shalt  }
0x5b: {  	_ =	shalt  }
0x5c: {  	_ =	shalt  }
0x5d: {  	_ =	shalt  }
0x5e: {  	_ =	shalt  }
0x5f: {  	_ =	shalt  }
0x60: {  	_ =	shalt  }
0x61: {  	_ =	shalt  }
0x62: {  	_ =	shalt  }
0x63: {  	_ =	shalt  }
0x64: {  	_ =	shalt  }
0x65: {  	_ =	shalt  }
0x66: {  	_ =	shalt  }
0x67: {  	_ =	shalt  }
0x68: {  	_ =	shalt  }
0x69: {  	_ =	shalt  }
0x6a: {  	_ =	shalt  }
0x6b: {  	_ =	shalt  }
0x6c: {  	_ =	shalt  }
0x6d: {  	_ =	shalt  }
0x6e: {  	_ =	shalt  }
0x6f: {  	_ =	shalt  }
0x70: {  	_ =	shalt  }
0x71: {  	_ =	shalt  }
0x72: {  	_ =	shalt  }
0x73: {  	_ =	shalt  }
0x74: {  	_ =	shalt  }
0x75: {  	_ =	shalt  }
0x76: {  	_ =	shalt  }
0x77: {  	_ =	shalt  }
0x78: {  	_ =	shalt  }
0x79: {  	_ =	shalt  }
0x7a: {  	_ =	shalt  }
0x7b: {  	_ =	shalt  }
0x7c: {  	_ =	shalt  }
0x7d: {  	_ =	shalt  }
0x7e: {  	_ =	shalt  }
0x7f: {  	_ =	shalt  }
0x80: {  	_ =	shalt  }
0x81: {  	_ =	shalt  }
0x82: {  	_ =	shalt  }
0x83: {  	_ =	shalt  }
0x84: {  	_ =	shalt  }
0x85: {  	_ =	shalt  }
0x86: {  	_ =	shalt  }
0x87: {  	_ =	shalt  }
.Lfunc_end0:
.L_simem_size_0:
called_computation_lowered:
.L_overlay_start_0:
0x88: {  	s2 =	sld [smem:$0x3FD9]  }
0x89: {  	s3 =	sld [smem:$0x3FFE];
	_ =	sdelay $0x1  }
0x8a: {  	s1 =	srdreg.scid  }
0x8b: {  	s0 =	sand.u32 $0x1, s1  }
0x8c: {  	s16 =	sshll.u32 s0, $0xA;
	s2 =	sadd.s32 s3, s2  }
0x8d: {  	s2 =	sadd.s32 s2, s16  }
0x8e: {  	[smem:$0x3FC2] =	sst s2  }
0x8f: {  	_ = 	snop  }
0x90: {  	(tm) =	ssettm $0x1  }
0x91: {  	s17 =	sld [smem:$0x3FFB];
	_ =	sdelay $0x3  }
0x92: {  	_ =	strace s17  }
0x93: {  	s2 =	sld [smem:$0x3FFC];
	_ =	sdelay $0x3  }
0x94: {  	_ =	strace s2  }
0x95: {  	s2 =	sld [smem:$0x3FFD];
	_ =	sdelay $0x3  }
0x96: {  	_ =	strace s2  }
0x97: {  	_ =	strace $0x8FFFFFFF  }
0x98: {  	s18 =	sld [smem:$0x3FDB];
	_ =	sdelay $0x1  }
0x99: {  	s19 =	simm.s32 $_scs_section_size  }
0x9a: {  	s4 =	simm.s32 $_size__tile_overlayer_lowered;
	s5 =	simm.s32 $_tile_overlayer_lowered  }
0x9b: {  	s22 =	simm.s32 $0x1BFF;
	s21 =	sshll.u32 s5, $0x1;
	s2 =	sadd.s32 s19, s18  }
0x9c: {  	s6 =	simm.s32 $0x0;
	s20 =	sshll.u32 s4, $0x1;
	s4 =	sadd.s32 s21, s2  }
0x9d: {  	[timem:s6], [sflag:s22] =	dma.local [hbm:s4], s20  }
0x9e: {  	_ =	swait.ge [sflag:s22], s20  }
0x9f: {  	s3 =	ssub.s32 $0x0, s20;
	[sflag:s22] =	ssyncset.done $0x0  }
0xa0: {  	[sflag:s22] =	ssyncadd.s32 s3;
	_ =	sdelay $0x1  }
0xa1: {  	s23 =	simm.s32 $0x1B8B  }
0xa2: {  	_ =	swait.ge [sflag:s23], $0x1  }
0xa3: {  	[sflag:s23] =	ssyncset.done $0x0  }
0xa4: {  	s25 =	simm.s32 $0x1B8E;
	s24 =	sld [smem:$0x3FFE];
	[sflag:s23] =	ssyncadd.s32 $0xFFFFFFFF  }
0xa5: {  	s26 =	simm.s32 $execute0_lowered;
	[smem:$0x3FD2] =	sst s25  }
0xa6: {  	s4 =	sshll.u32 s26, $0x1;
	_ =	strace $0x80000046;
	[dreg:$0x1] =	wrdreg $0xFFFFFFFF  }
0xa7: {  	s28 =	simm.s32 $_size_execute0_lowered;
	s2 =	sadd.s32 s2, s4;
	[dreg:$0x0] =	wrdreg $0x0  }
0xa8: {  	s4 =	sshll.u32 s28, $0x1;
	[dreg:$0x2] =	wrdreg s2  }
0xa9: {  	[dreg:$0x3] =	wrdreg s4  }
0xaa: {  	[dreg:$0x4] =	wrdreg $0xC0  }
0xab: {  	_ =	task [dreg:s6], $0x5FFFF  }
0xac: {  	[dreg:$0x1] =	wrdreg $0xFFFFFFFF  }
0xad: {  	[dreg:$0x0] =	wrdreg $0x60  }
0xae: {  	[dreg:$0x2] =	wrdreg s24  }
0xaf: {  	[dreg:$0x3] =	wrdreg $0xA8000  }
0xb0: {  	[dreg:$0x4] =	wrdreg $0x9  }
0xb1: {  	_ =	task.clear_ibuf [dreg:s6], $0x5FFFF;
	_ =	strace $0x90000046  }
0xb2: {  	s29 =	simm.s32 $0x9;
	_ =	strace $0x80000048  }
0xb3: {  	_ =	swait.ge [sflag:s29], $0x1  }
0xb4: {  	[sflag:s29] =	ssyncadd.s32 $0xFFFFFFFF  }
0xb5: {  	_ =	strace $0x90000048  }
0xb6: {  	_ =	sfence  }
0xb7: {  	s30 =	sld [smem:$0x0];
	_ =	sdelay $0x2  }
0xb8: {  	s31 =	sshll.u32 s1, $0xD;
	s1 =	sshrl.u32 s1, $0x2  }
0xb9: {  	s3 =	sand.u32 $0x4000, s31;
	s1 =	sadd.s32 s1, s30  }
0xba: {  	s0 =	sor.u32 s3, s0;
	s1 =	sshll.u32 s1, $0x11  }
0xbb: {  	s0 =	sor.u32 s1, s0  }
0xbc: {  	s0 =	sadd.s32 $0x8F2B, s0  }
0xbd: {  	[sflag:s0] =	ssyncadd.remote.s32 $0x1  }
0xbe: {  	_ =	sfence.sel $0xFFFF  }
0xbf: {  	[dreg:$0x0] =	wrdreg $0xFFFFFFFF;
	(pc) =	sbr.abs _section_cstart, $3  }
0xc0: {  	[dreg:$0x1] =	wrdreg $0xFFFFFFFF  }
0xc1: {  	_ =	task.clear_ibuf [dreg:s6], $0x2FFFF;
	_ =	strace $0x9FFFFFFF  }
0xc2: {  	(tm) =	ssettm $0x7FFFFFFF  }
0xc3: {  	_ =	shalt  }
tec
execute0_lowered:
.L_overlay_start_1:
0x0: {  	(tag) =	ssettag $0x1  }
0x1: {  	s0 =	srdreg.scid;
	s4 =	rddreg [dreg:$0x0]  }
0x2: {  	s2 =	rddreg [dreg:$0x1];
	s1 =	stileid.u32  }
0x3: {  	s3 =	simm.s32 $0x0;
	s19 =	simm.s32 $0x2800;
	s20 =	simm.s32 $0x0  }
0x4: {  	s6 =	sand.u32 $0x1, s0;
	s0 =	rddreg [dreg:$0x2];
	s7 =	smul.u32 $0x50000, s1  }
0x5: {  	[smem:$0x7FF] =	sst s3;
	s14 =	sadd.s32 $0x16000, s4;
	s9 =	smul.u32 $0x14000, s1  }
0x6: {  	s5 =	sshll.u32 s6, $0x4;
	_ =	strace $0x80000047;
	s31 =	ssub.s32 $0x2, s6  }
0x7: {  	s13 =	smul.u32 $0x140000, s6;
	s5 =	sor.u32 s1, s5;
	s8 =	sshrl.u32 s31, $0x1  }
0x8: {  	s7 =	sshrl.u32 s7, $0x2;
	s10 =	sadd.s32 $0x4000, s9;
	s12 =	sadd.s32 $0x8000, s9  }
0x9: {  	s16 =	sadd.s32 $0xC000, s9;
	s17 =	sadd.s32 $0x10000, s9;
	s5 =	smul.u32 $0x500, s5  }
0xa: {  	s15 =	ssub.s32 s31, s8;
	s6 =	sadd.s32 s10, s2;
	s8 =	sadd.s32 s16, s2  }
0xb: {  	s11 =	sadd.s32 s9, s13;
	s10 =	sadd.s32 s13, s10;
	s9 =	sadd.s32 s17, s2  }
0xc: {  	s16 =	sadd.s32 s13, s16;
	s11 =	sshrl.u32 s11, $0x3;
	s18 =	sshrl.u32 s10, $0x3  }
0xd: {  	s16 =	sshrl.u32 s16, $0x3;
	s15 =	smax.u32 s15, $0x1;
	s5 =	sadd.s32 s5, s4  }
0xe: {  	s10 =	sadd.s32 s14, s11;
	s11 =	sadd.s32 s14, s18;
	s4 =	sadd.s32 $0x2000, s5  }
0xf: {  	s5 =	sadd.s32 s7, s2;
	s7 =	sadd.s32 s12, s2;
	s12 =	sadd.s32 s13, s12  }
0x10: {  	s18 =	simm.s32 $0x80;
	s13 =	sadd.s32 s13, s17;
	s12 =	sshrl.u32 s12, $0x3  }
0x11: {  	s17 =	sshrl.u32 s13, $0x3;
	s13 =	sadd.s32 s14, s16;
	s16 =	simm.s32 $0x1  }
0x12: {  	v0 =	vimm.f32 $0.0e+00;
	v1 =	vimm.f32 $1.000000000e+00;
	s12 =	sadd.s32 s14, s12;
	s14 =	sadd.s32 s14, s17;
	s17 =	simm.s32 $0x6800  }
.LBB2_1:
0x13: {  	s21 =	simm.s32 $0x0;
	s22 =	simm.s32 $0x200  }
.LBB2_2:
0x14: {  	p0 =	sne.s32 s22, $0xFE00;
	[tilespmem:s21+$0x6870] =	vst v0  }
0x15: {  	[tilespmem:s21+$0x6800] =	vst v0  }
0x16: {  	[tilespmem:s21+$0x6810] =	vst v0  }
.Ltmp0:
0x17: {  	[tilespmem:s21+$0x6820] =	vst v0;
	(pc) =	sbr.rel @p0 .LBB2_2-.Ltmp0, $4  }
0x18: {  	[tilespmem:s21+$0x6830] =	vst v0  }
0x19: {  	[tilespmem:s21+$0x6840] =	vst v0  }
0x1a: {  	[tilespmem:s21+$0x6850] =	vst v0  }
0x1b: {  	[tilespmem:s21+$0x6860] =	vst v0;
	s21 =	sshra.s32 s22, $0x2;
	s22 =	sadd.s32 $0x200, s22  }
0x1c: {  	[tilespmem:s21+$0x6870] =	vst v0  }
0x1d: {  	[tilespmem:s21+$0x6800] =	vst v0  }
0x1e: {  	[tilespmem:s21+$0x6810] =	vst v0  }
0x1f: {  	[tilespmem:s21+$0x6820] =	vst v0  }
0x20: {  	[tilespmem:s21+$0x6830] =	vst v0  }
0x21: {  	[tilespmem:s21+$0x6840] =	vst v0  }
0x22: {  	[tilespmem:s21+$0x6850] =	vst v0  }
0x23: {  	[tilespmem:s21+$0x6860] =	vst v0;
	s21 =	simm.s32 $0x0;
	s22 =	simm.s32 $0x200  }
.LBB2_4:
0x24: {  	p0 =	sne.s32 s22, $0xFE00;
	[tilespmem:s21+$0x2870] =	vst v1  }
0x25: {  	[tilespmem:s21+$0x2800] =	vst v1  }
0x26: {  	[tilespmem:s21+$0x2810] =	vst v1  }
.Ltmp1:
0x27: {  	[tilespmem:s21+$0x2820] =	vst v1;
	(pc) =	sbr.rel @p0 .LBB2_4-.Ltmp1, $4  }
0x28: {  	[tilespmem:s21+$0x2830] =	vst v1  }
0x29: {  	[tilespmem:s21+$0x2840] =	vst v1  }
0x2a: {  	[tilespmem:s21+$0x2850] =	vst v1  }
0x2b: {  	[tilespmem:s21+$0x2860] =	vst v1;
	s21 =	sshra.s32 s22, $0x2;
	s22 =	sadd.s32 $0x200, s22  }
0x2c: {  	[tilespmem:s21+$0x2870] =	vst v1  }
0x2d: {  	[tilespmem:s21+$0x2800] =	vst v1  }
0x2e: {  	[tilespmem:s21+$0x2810] =	vst v1  }
0x2f: {  	[tilespmem:s21+$0x2820] =	vst v1  }
0x30: {  	[tilespmem:s21+$0x2830] =	vst v1  }
0x31: {  	[tilespmem:s21+$0x2840] =	vst v1  }
0x32: {  	[tilespmem:s21+$0x2850] =	vst v1  }
0x33: {  	[tilespmem:s21+$0x2860] =	vst v1;
	s30 =	simm.s32 $0x0  }
0x34: {  	[tilespmem:s30], [sflag:$0x1] =	stream.linear.gather [hbm4b:s4+s30], $0x2800, $0x38;
	[tilespmem:$0x1E800] =	vst v63  }
0x35: {  	_ =	swait.ge [sflag:s16], $0x2800  }
0x36: {  	[sflag:s16] =	ssyncset.done $0x0  }
0x37: {  	[sflag:s16] =	ssyncadd.s32 $0xFFFFD800  }
0x38: {  	[spmem:s5] =	stream.linear.scatter [tilespmem:s17], [sflag:$0x1], $0x4000, $0x38;
	[tilespmem:$0x1E800] =	vst v63  }
0x39: {  	_ =	swait.ge [sflag:s16], $0x4000  }
0x3a: {  	[sflag:s16] =	ssyncset.done $0x0  }
0x3b: {  	[sflag:s16] =	ssyncadd.s32 $0xFFFFC000  }
0x3c: {  	[spmem:s6] =	stream.linear.scatter [tilespmem:s17], [sflag:$0x1], $0x4000, $0x38;
	[tilespmem:$0x1E800] =	vst v63  }
0x3d: {  	_ =	swait.ge [sflag:s16], $0x4000  }
0x3e: {  	[sflag:s16] =	ssyncset.done $0x0  }
0x3f: {  	[sflag:s16] =	ssyncadd.s32 $0xFFFFC000  }
0x40: {  	[spmem:s7] =	stream.linear.scatter [tilespmem:s17], [sflag:$0x1], $0x4000, $0x38;
	[tilespmem:$0x1E800] =	vst v63  }
0x41: {  	_ =	swait.ge [sflag:s16], $0x4000  }
0x42: {  	[sflag:s16] =	ssyncset.done $0x0  }
0x43: {  	[sflag:s16] =	ssyncadd.s32 $0xFFFFC000  }
0x44: {  	[spmem:s8] =	stream.linear.scatter [tilespmem:s17], [sflag:$0x1], $0x4000, $0x38;
	[tilespmem:$0x1E800] =	vst v63  }
0x45: {  	_ =	swait.ge [sflag:s16], $0x4000  }
0x46: {  	[sflag:s16] =	ssyncset.done $0x0  }
0x47: {  	[sflag:s16] =	ssyncadd.s32 $0xFFFFC000  }
0x48: {  	[spmem:s9] =	stream.linear.scatter [tilespmem:s17], [sflag:$0x1], $0x4000, $0x38;
	[tilespmem:$0x1E800] =	vst v63  }
0x49: {  	_ =	swait.ge [sflag:s16], $0x4000  }
0x4a: {  	[sflag:s16] =	ssyncset.done $0x0  }
0x4b: {  	[sflag:s16] =	ssyncadd.s32 $0xFFFFC000  }
0x4c: {  	s31 =	simm.s32 $0x0;
	[bflag:$0x0] =	sbarrier.arrive $0xFFFF  }
0x4d: {  	[spmem:s2] =	stream.indirect.scatter.add.f32 [tilespmem:s19], [sflag:$0x1], $0x80, s31, s18, $0xb8;
	[tilespmem:$0x1E800] =	vst v63  }
0x4e: {  	_ =	swait.ge [sflag:s16], $0x4000  }
0x4f: {  	s21 =	simm.s32 $0x200;
	[sflag:s16] =	ssyncset.done $0x0  }
.LBB2_6:
0x50: {  	s22 =	sshra.s32 s21, $0x2;
	[sflag:s16] =	ssyncadd.s32 $0xFFFFC000;
	p0 =	sne.s32 s21, $0x9E00  }
0x51: {  	[spmem:s2] =	stream.indirect.scatter.add.f32 [tilespmem:s19], [sflag:$0x1], $0x80, s22, s18, $0xb8;
	[tilespmem:$0x1E800] =	vst v63  }
.Ltmp2:
0x52: {  	_ = 	snop;
	(pc) =	sbr.rel @p0 .LBB2_6-.Ltmp2, $4  }
0x53: {  	_ = 	snop  }
0x54: {  	s21 =	sadd.s32 $0x200, s21  }
0x55: {  	_ =	swait.ge [sflag:s16], $0x4000  }
0x56: {  	[sflag:s16] =	ssyncset.done $0x0  }
0x57: {  	[sflag:s16] =	ssyncadd.s32 $0xFFFFC000  }
0x58: {  	[bflag:$0x0] =	sbarrier.arrive $0xFFFF  }
0x59: {  	[tilespmem:s17], [sflag:$0x1] =	stream.linear.gather [spmem:s5], $0x4000, $0x38;
	[tilespmem:$0x1E800] =	vst v63  }
0x5a: {  	_ =	swait.ge [sflag:s16], $0x4000  }
0x5b: {  	[sflag:s16] =	ssyncset.done $0x0  }
0x5c: {  	[sflag:s16] =	ssyncadd.s32 $0xFFFFC000  }
0x5d: {  	[hbm4b:s10+s3] =	stream.linear.scatter [tilespmem:s17], [sflag:$0x1], $0x4000, $0x38;
	[tilespmem:$0x1E800] =	vst v63  }
0x5e: {  	_ =	swait.ge [sflag:s16], $0x4000  }
0x5f: {  	[sflag:s16] =	ssyncset.done $0x0  }
0x60: {  	[sflag:s16] =	ssyncadd.s32 $0xFFFFC000  }
0x61: {  	[tilespmem:s17], [sflag:$0x1] =	stream.linear.gather [spmem:s6], $0x4000, $0x38;
	[tilespmem:$0x1E800] =	vst v63  }
0x62: {  	_ =	swait.ge [sflag:s16], $0x4000  }
0x63: {  	[sflag:s16] =	ssyncset.done $0x0  }
0x64: {  	[sflag:s16] =	ssyncadd.s32 $0xFFFFC000  }
0x65: {  	[hbm4b:s11+s3] =	stream.linear.scatter [tilespmem:s17], [sflag:$0x1], $0x4000, $0x38;
	[tilespmem:$0x1E800] =	vst v63  }
0x66: {  	_ =	swait.ge [sflag:s16], $0x4000  }
0x67: {  	[sflag:s16] =	ssyncset.done $0x0  }
0x68: {  	[sflag:s16] =	ssyncadd.s32 $0xFFFFC000  }
0x69: {  	[tilespmem:s17], [sflag:$0x1] =	stream.linear.gather [spmem:s7], $0x4000, $0x38;
	[tilespmem:$0x1E800] =	vst v63  }
0x6a: {  	_ =	swait.ge [sflag:s16], $0x4000  }
0x6b: {  	[sflag:s16] =	ssyncset.done $0x0  }
0x6c: {  	[sflag:s16] =	ssyncadd.s32 $0xFFFFC000  }
0x6d: {  	[hbm4b:s12+s3] =	stream.linear.scatter [tilespmem:s17], [sflag:$0x1], $0x4000, $0x38;
	[tilespmem:$0x1E800] =	vst v63  }
0x6e: {  	_ =	swait.ge [sflag:s16], $0x4000  }
0x6f: {  	[sflag:s16] =	ssyncset.done $0x0  }
0x70: {  	[sflag:s16] =	ssyncadd.s32 $0xFFFFC000  }
0x71: {  	[tilespmem:s17], [sflag:$0x1] =	stream.linear.gather [spmem:s8], $0x4000, $0x38;
	[tilespmem:$0x1E800] =	vst v63  }
0x72: {  	_ =	swait.ge [sflag:s16], $0x4000  }
0x73: {  	[sflag:s16] =	ssyncset.done $0x0  }
0x74: {  	[sflag:s16] =	ssyncadd.s32 $0xFFFFC000  }
0x75: {  	[hbm4b:s13+s3] =	stream.linear.scatter [tilespmem:s17], [sflag:$0x1], $0x4000, $0x38;
	[tilespmem:$0x1E800] =	vst v63  }
0x76: {  	_ =	swait.ge [sflag:s16], $0x4000  }
0x77: {  	[sflag:s16] =	ssyncset.done $0x0  }
0x78: {  	[sflag:s16] =	ssyncadd.s32 $0xFFFFC000  }
0x79: {  	[tilespmem:s17], [sflag:$0x1] =	stream.linear.gather [spmem:s9], $0x4000, $0x38;
	[tilespmem:$0x1E800] =	vst v63  }
0x7a: {  	s20 =	sadd.s32 $0x1, s20;
	_ =	swait.ge [sflag:s16], $0x4000  }
0x7b: {  	p0 =	sne.s32 s20, s15;
	[sflag:s16] =	ssyncset.done $0x0  }
.Ltmp3:
0x7c: {  	[sflag:s16] =	ssyncadd.s32 $0xFFFFC000;
	(pc) =	sbr.rel @p0 .LBB2_1-.Ltmp3, $4  }
0x7d: {  	[hbm4b:s14+s3] =	stream.linear.scatter [tilespmem:s17], [sflag:$0x1], $0x4000, $0x38;
	[tilespmem:$0x1E800] =	vst v63  }
0x7e: {  	_ =	swait.ge [sflag:s16], $0x4000  }
0x7f: {  	[sflag:s16] =	ssyncset.done $0x0  }
0x80: {  	[sflag:s16] =	ssyncadd.s32 $0xFFFFC000  }
0x81: {  	_ =	sfence.sel $0x180000  }
0x82: {  	[bflag:$0x0] =	sbarrier.arrive $0xFFFF  }
0x83: {  	p0 =	sne.s32 s1, $0x0;
	_ =	strace $0x90000047  }
0x84: {  	s0 =	sadd.s32 @!p0 $0x100000, s0;
	[bflag:$0x2] =	sbarrier.arrive $0xFFFF  }
0x85: {  	[sflag:s0] =	ssyncadd.tile.s32 @!p0 $0x1;
	_ =	shalt  }
.Lfunc_end2:
_tile_overlayer_lowered:
.L_overlay_start_2:
0x86: {  	(tag) =	ssettag $0x2  }
0x87: {  	s0 =	rddreg [dreg:$0x0];
	s2 =	stileid.u32  }
0x88: {  	s1 =	rddreg [dreg:$0x1];
	p0 =	sne.s32 s2, $0x0  }
0x89: {  	s3 =	rddreg [dreg:$0x2];
	[bflag:$0x3] =	sbarrier.arrive $0xFFFF;
	s2 =	simm.s32 @!p0 $0x1C01  }
0x8a: {  	[timem:s3], [sflag:s2] =	dma.local @!p0 [hbm:s0], s1  }
0x8b: {  	s0 =	simm.s32 @!p0 $0x1  }
0x8c: {  	_ =	swait.ge @!p0 [sflag:s0], s1  }
0x8d: {  	s1 =	ssub.s32 @!p0 $0x0, s1;
	[sflag:s0] =	ssyncset.done @!p0 $0x0  }
0x8e: {  	[sflag:s0] =	ssyncadd.s32 @!p0 s1  }
0x8f: {  	[bflag:$0x3] =	sbarrier.arrive $0xFFFF  }
0x90: {  	_ =	shalt  }

</sc_bundles>
